<compile_context>
chip_gen: v7x
topology: tpu7x:2x2x1
jax: 0.10.2.dev20260603
libtpu: 0.0.44.dev20260713+nightly
codegen_flags: <defaults>
</compile_context>

<pallas_src>
import functools

import jax
import jax.numpy as jnp
from jax import lax
from jax.experimental import pallas as pl
from jax.experimental.pallas import tpu as pltpu
from jax.experimental.pallas import tpu_sc as plsc

B = 16384
D = 32
NW = 32
BPW = B // NW
G = 128
K = 11
_I16 = lambda: lax.iota(jnp.int32, 16)


def _issue(t_hbm, idx_v, blk, sems, s, slot):
    ivv = plsc.load_gather(idx_v, [jnp.zeros((16,), jnp.int32) + s])
    va = pl.multiple_of((ivv[0] // G) * G, G)
    pltpu.async_copy(t_hbm.at[:, pl.ds(va, G)], blk.at[slot], sems.at[slot])


def _extract(dummy_hbm, idx_v, blk, sems, col, s, slot):
    pltpu.make_async_copy(
        dummy_hbm.at[:, pl.ds(0, G)], blk.at[slot], sems.at[slot]).wait()
    ivv = plsc.load_gather(idx_v, [jnp.zeros((16,), jnp.int32) + s])
    lane = lax.rem(ivv, G)
    svec = jnp.zeros((16,), jnp.int32) + s
    rvec = jnp.zeros((16,), jnp.int32) + slot
    f0 = _I16()
    f1 = f0 + 16
    v0 = plsc.load_gather(blk, [rvec, f0, lane])
    v1 = plsc.load_gather(blk, [rvec, f1, lane])
    plsc.store_scatter(col, [f0, svec], v0)
    plsc.store_scatter(col, [f1, svec], v1)


def _gather_body(ut_hbm, it_hbm, iu_hbm, ii_hbm, u_out, i_out,
                 idxu_v, idxi_v, blk, colU, colI, sems):
    wid = lax.axis_index("s") * 2 + lax.axis_index("c")
    base = wid * BPW
    pltpu.sync_copy(iu_hbm.at[wid], idxu_v)
    pltpu.sync_copy(ii_hbm.at[wid], idxi_v)

    for s0 in range(K):
        _issue(ut_hbm, idxu_v, blk, sems, s0, 2 * s0)
        _issue(it_hbm, idxi_v, blk, sems, s0, 2 * s0 + 1)

    def body(s, carry):
        r = lax.rem(s, K)
        _extract(ut_hbm, idxu_v, blk, sems, colU, s, 2 * r)
        _extract(ut_hbm, idxi_v, blk, sems, colI, s, 2 * r + 1)

        @pl.when(s + K < BPW)
        def _():
            _issue(ut_hbm, idxu_v, blk, sems, s + K, 2 * r)
            _issue(it_hbm, idxi_v, blk, sems, s + K, 2 * r + 1)

        return carry

    lax.fori_loop(0, BPW, body, 0)
    pltpu.sync_copy(colU, u_out.at[:, pl.ds(base, BPW)])
    pltpu.sync_copy(colI, i_out.at[:, pl.ds(base, BPW)])


@jax.jit
def _sc_gather(utT, itT, idx_u2, idx_i2):
    mesh = plsc.VectorSubcoreMesh(core_axis_name="c", subcore_axis_name="s")
    out = jax.ShapeDtypeStruct((D, B), jnp.float32)
    return pl.kernel(
        _gather_body,
        mesh=mesh,
        compiler_params=pltpu.CompilerParams(
            needs_layout_passes=False, use_tc_tiling_on_sc=True),
        out_type=(out, out),
        scratch_types=[
            pltpu.VMEM((BPW,), jnp.int32),
            pltpu.VMEM((BPW,), jnp.int32),
            pltpu.VMEM((2 * K, D, G), jnp.float32),
            pltpu.VMEM((D, BPW), jnp.float32),
            pltpu.VMEM((D, BPW), jnp.float32),
            pltpu.SemaphoreType.DMA((2 * K,)),
        ],
    )(utT, itT, idx_u2, idx_i2)


TB = 4096


def _mlp_body(u_ref, i_ref, w1u_ref, w1i_ref, b1_ref, w2_ref, b2_ref,
              w3_ref, b3_ref, o_ref):
    h = jnp.dot(w1u_ref[...], u_ref[...], preferred_element_type=jnp.float32)
    h = h + jnp.dot(w1i_ref[...], i_ref[...], preferred_element_type=jnp.float32)
    h = jax.nn.relu(h + b1_ref[...])
    h = jax.nn.relu(
        jnp.dot(w2_ref[...], h, preferred_element_type=jnp.float32) + b2_ref[...])
    o_ref[...] = (
        jnp.dot(w3_ref[...], h, preferred_element_type=jnp.float32) + b3_ref[...])


@jax.jit
def _tc_mlp(uT, iT, W1uT, W1iT, b1, W2T, b2, W3T, b3):
    full = lambda r, c: pl.BlockSpec((r, c), lambda i: (0, 0))
    return pl.pallas_call(
        _mlp_body,
        grid=(B // TB,),
        in_specs=[
            pl.BlockSpec((D, TB), lambda i: (0, i)),
            pl.BlockSpec((D, TB), lambda i: (0, i)),
            full(64, D), full(64, D), full(64, 1),
            full(16, 64), full(16, 1),
            full(1, 16), full(1, 1),
        ],
        out_specs=pl.BlockSpec((1, TB), lambda i: (0, i)),
        out_shape=jax.ShapeDtypeStruct((1, B), jnp.float32),
    )(uT, iT, W1uT, W1iT, b1, W2T, b2, W3T, b3)


def kernel(inputs, user_table, item_table, W1, b1, W2, b2, W3, b3):
    idx_u2 = inputs[:, 0].reshape(NW, BPW)
    idx_i2 = inputs[:, 1].reshape(NW, BPW)
    uT, iT = _sc_gather(user_table.T, item_table.T, idx_u2, idx_i2)
    outT = _tc_mlp(
        uT, iT,
        W1[:D, :].T, W1[D:, :].T, b1.reshape(64, 1),
        W2.T, b2.reshape(16, 1),
        W3.T, b3.reshape(1, 1),
    )
    return outT.reshape(B, 1)

# --- scband reference (transcript-rebuilt; emitter-appended) ---
"""Pipeline reference for scband-ranking-model-86861418594746 (READ-ONLY COPY).

The authoritative reference and input builder live on the scoring server;
editing this copy changes nothing except your own understanding.
"""

import jax, jax.numpy as jnp
import numpy as np

B = 16384
V_USER = 1000000
V_ITEM = 1000000
D = 32


def setup_inputs(seed: int = 0) -> dict:
    key = jax.random.key(seed)
    ks = jax.random.split(key, 10)
    inputs = jax.random.randint(ks[0], (B, 2), 0, V_USER, dtype=jnp.int32)
    # he_normal-initialized embedding tables (stddev = sqrt(2/fan_in), fan_in = embed dim)
    user_table = jax.random.normal(ks[1], (V_USER, D), dtype=jnp.float32) * np.sqrt(2.0 / D)
    item_table = jax.random.normal(ks[2], (V_ITEM, D), dtype=jnp.float32) * np.sqrt(2.0 / D)
    # MLP head: Dense(64, relu) -> Dense(16, relu) -> Dense(1)
    W1 = jax.random.normal(ks[3], (2 * D, 64), dtype=jnp.float32) * np.sqrt(2.0 / (2 * D))
    b1 = jnp.zeros((64,), dtype=jnp.float32)
    W2 = jax.random.normal(ks[4], (64, 16), dtype=jnp.float32) * np.sqrt(2.0 / 64)
    b2 = jnp.zeros((16,), dtype=jnp.float32)
    W3 = jax.random.normal(ks[5], (16, 1), dtype=jnp.float32) * np.sqrt(2.0 / 16)
    b3 = jnp.zeros((1,), dtype=jnp.float32)
    return {"inputs": inputs, "user_table": user_table, "item_table": item_table,
            "W1": W1, "b1": b1, "W2": W2, "b2": b2, "W3": W3, "b3": b3}


def reference(inputs, user_table, item_table, W1, b1, W2, b2, W3, b3):
    # Embedding lookups (SparseCore gathers)
    user_emb = jnp.take(user_table, inputs[:, 0], axis=0)
    item_emb = jnp.take(item_table, inputs[:, 1], axis=0)
    h = jnp.concatenate([user_emb, item_emb], axis=1)
    # Dropout with rate 0.0 is identity; regularizers do not affect forward output
    h = jax.nn.relu(h @ W1 + b1)
    h = jax.nn.relu(h @ W2 + b2)
    return h @ W3 + b3

if __name__ == "__main__":
    import jax
    _d = setup_inputs()
    print(jax.jit(kernel)(*tuple(_d.values())))

</pallas_src>

<mosaic_0001>
#map = affine_map<(d0, d1) -> (0, 0)>
module attributes {stable_mosaic.version = 14 : i64} {
  func.func @_gather_body(%arg0: i32, %arg1: i32, %arg2: memref<32x1000000xf32, #tpu.memory_space<hbm>>, %arg3: memref<32x1000000xf32, #tpu.memory_space<hbm>>, %arg4: memref<32x512xi32, #tpu.memory_space<hbm>>, %arg5: memref<32x512xi32, #tpu.memory_space<hbm>>, %arg6: memref<32x16384xf32, #tpu.memory_space<hbm>>, %arg7: memref<32x16384xf32, #tpu.memory_space<hbm>>, %arg8: memref<512xi32, #tpu.memory_space<vmem>>, %arg9: memref<512xi32, #tpu.memory_space<vmem>>, %arg10: memref<22x32x128xf32, #tpu.memory_space<vmem>>, %arg11: memref<32x512xf32, #tpu.memory_space<vmem>>, %arg12: memref<32x512xf32, #tpu.memory_space<vmem>>, %arg13: memref<22x!tpu.dma_semaphore, #tpu.memory_space<semaphore_mem>>) attributes {dimension_semantics = [#tpu.dimension_semantics<core_parallel>, #tpu.dimension_semantics<subcore_parallel>], iteration_bounds = array<i64: 2, 16>, scalar_prefetch = 0 : i64, scratch_operands = 6 : i64, tpu.core_type = #tpu.core_type<sc_vector_subcore>, window_params = [{transform_indices = #map}, {transform_indices = #map}, {transform_indices = #map}, {transform_indices = #map}, {transform_indices = #map}, {transform_indices = #map}]} {
    %mul3A = arith.constant 2 : i32
    %mul3A_0 = arith.muli %arg1, %mul3A : i32
    %add3A = arith.addi %mul3A_0, %arg0 : i32
    %mul3A_1 = arith.constant 512 : i32
    %mul3A_2 = arith.muli %add3A, %mul3A_1 : i32
    "tpu.region"() ({
      %run_scoped3A = tpu.sem_alloc : memref<!tpu.dma_semaphore, #tpu.memory_space<semaphore_mem>>
      %dma_start3A_1116 = arith.constant 0 : i32
      %dma_start3A_1117 = tpu.memref_slice %arg4[%add3A, %dma_start3A_1116] : memref<32x512xi32, #tpu.memory_space<hbm>> -> memref<1x512xi32, #tpu.memory_space<hbm>>
      %dma_start3A_1118 = tpu.memref_squeeze %dma_start3A_1117 : memref<1x512xi32, #tpu.memory_space<hbm>> -> memref<512xi32, #tpu.memory_space<hbm>>
      %dma_start3A_1119 = arith.constant 0 : i32
      %dma_start3A_1120 = tpu.memref_slice %arg4[%add3A, %dma_start3A_1119] : memref<32x512xi32, #tpu.memory_space<hbm>> -> memref<1x512xi32, #tpu.memory_space<hbm>>
      %dma_start3A_1121 = tpu.memref_squeeze %dma_start3A_1120 : memref<1x512xi32, #tpu.memory_space<hbm>> -> memref<512xi32, #tpu.memory_space<hbm>>
      tpu.enqueue_dma source(%dma_start3A_1121 : memref<512xi32, #tpu.memory_space<hbm>>) target(%arg8 : memref<512xi32, #tpu.memory_space<vmem>>) target_semaphore(%run_scoped3A : memref<!tpu.dma_semaphore, #tpu.memory_space<semaphore_mem>>)
      %dma_wait3A = arith.constant 0 : i32
      %dma_wait3A_1122 = tpu.memref_slice %arg4[%add3A, %dma_wait3A] : memref<32x512xi32, #tpu.memory_space<hbm>> -> memref<1x512xi32, #tpu.memory_space<hbm>>
      %dma_wait3A_1123 = tpu.memref_squeeze %dma_wait3A_1122 : memref<1x512xi32, #tpu.memory_space<hbm>> -> memref<512xi32, #tpu.memory_space<hbm>>
      %dma_wait3A_1124 = arith.constant 0 : i32
      %dma_wait3A_1125 = tpu.memref_slice %arg4[%add3A, %dma_wait3A_1124] : memref<32x512xi32, #tpu.memory_space<hbm>> -> memref<1x512xi32, #tpu.memory_space<hbm>>
      %dma_wait3A_1126 = tpu.memref_squeeze %dma_wait3A_1125 : memref<1x512xi32, #tpu.memory_space<hbm>> -> memref<512xi32, #tpu.memory_space<hbm>>
      tpu.wait_dma2 semaphore(%run_scoped3A : memref<!tpu.dma_semaphore, #tpu.memory_space<semaphore_mem>>) src(%dma_wait3A_1126 : memref<512xi32, #tpu.memory_space<hbm>>) dst(%arg8 : memref<512xi32, #tpu.memory_space<vmem>>)
      tpu.yield
    }) : () -> ()
    "tpu.region"() ({
      %run_scoped3A = tpu.sem_alloc : memref<!tpu.dma_semaphore, #tpu.memory_space<semaphore_mem>>
      %dma_start3A_1116 = arith.constant 0 : i32
      %dma_start3A_1117 = tpu.memref_slice %arg5[%add3A, %dma_start3A_1116] : memref<32x512xi32, #tpu.memory_space<hbm>> -> memref<1x512xi32, #tpu.memory_space<hbm>>
      %dma_start3A_1118 = tpu.memref_squeeze %dma_start3A_1117 : memref<1x512xi32, #tpu.memory_space<hbm>> -> memref<512xi32, #tpu.memory_space<hbm>>
      %dma_start3A_1119 = arith.constant 0 : i32
      %dma_start3A_1120 = tpu.memref_slice %arg5[%add3A, %dma_start3A_1119] : memref<32x512xi32, #tpu.memory_space<hbm>> -> memref<1x512xi32, #tpu.memory_space<hbm>>
      %dma_start3A_1121 = tpu.memref_squeeze %dma_start3A_1120 : memref<1x512xi32, #tpu.memory_space<hbm>> -> memref<512xi32, #tpu.memory_space<hbm>>
      tpu.enqueue_dma source(%dma_start3A_1121 : memref<512xi32, #tpu.memory_space<hbm>>) target(%arg9 : memref<512xi32, #tpu.memory_space<vmem>>) target_semaphore(%run_scoped3A : memref<!tpu.dma_semaphore, #tpu.memory_space<semaphore_mem>>)
      %dma_wait3A = arith.constant 0 : i32
      %dma_wait3A_1122 = tpu.memref_slice %arg5[%add3A, %dma_wait3A] : memref<32x512xi32, #tpu.memory_space<hbm>> -> memref<1x512xi32, #tpu.memory_space<hbm>>
      %dma_wait3A_1123 = tpu.memref_squeeze %dma_wait3A_1122 : memref<1x512xi32, #tpu.memory_space<hbm>> -> memref<512xi32, #tpu.memory_space<hbm>>
      %dma_wait3A_1124 = arith.constant 0 : i32
      %dma_wait3A_1125 = tpu.memref_slice %arg5[%add3A, %dma_wait3A_1124] : memref<32x512xi32, #tpu.memory_space<hbm>> -> memref<1x512xi32, #tpu.memory_space<hbm>>
      %dma_wait3A_1126 = tpu.memref_squeeze %dma_wait3A_1125 : memref<1x512xi32, #tpu.memory_space<hbm>> -> memref<512xi32, #tpu.memory_space<hbm>>
      tpu.wait_dma2 semaphore(%run_scoped3A : memref<!tpu.dma_semaphore, #tpu.memory_space<semaphore_mem>>) src(%dma_wait3A_1126 : memref<512xi32, #tpu.memory_space<hbm>>) dst(%arg9 : memref<512xi32, #tpu.memory_space<vmem>>)
      tpu.yield
    }) : () -> ()
    %broadcast_in_dim3A = arith.constant 0 : i32
    %broadcast_in_dim3A_3 = vector.broadcast %broadcast_in_dim3A : i32 to vector<16xi32>
    %add3A_4 = arith.constant 0 : i32
    %add3A_5 = vector.broadcast %add3A_4 : i32 to vector<16xi32>
    %add3A_6 = arith.addi %broadcast_in_dim3A_3, %add3A_5 : vector<16xi32>
    %gather3A = tpu.vector_load_idx %arg8[%add3A_6] : memref<512xi32, #tpu.memory_space<vmem>>[vector<16xi32>], vector<16xi32>,
    %slice3A = vector.extract_strided_slice %gather3A {offsets = [0], sizes = [1], strides = [1]} : vector<16xi32> to vector<1xi32>
    %squeeze3A = vector.extract %slice3A[0] : i32 from vector<1xi32>
    %jit3A = arith.constant 128 : i32
    %div3A = arith.divsi %squeeze3A, %jit3A : i32
    %sign3A = arith.constant 0 : i32
    %sign3A_7 = arith.cmpi sgt, %squeeze3A, %sign3A : i32
    %sign3A_8 = arith.extui %sign3A_7 : i1 to i32
    %sign3A_9 = arith.constant 0 : i32
    %sign3A_10 = arith.cmpi slt, %squeeze3A, %sign3A_9 : i32
    %sign3A_11 = arith.extui %sign3A_10 : i1 to i32
    %sign3A_12 = arith.subi %sign3A_8, %sign3A_11 : i32
    %sign3A_13 = arith.constant 0 : i32
    %sign3A_14 = arith.cmpi sgt, %jit3A, %sign3A_13 : i32
    %sign3A_15 = arith.extui %sign3A_14 : i1 to i32
    %sign3A_16 = arith.constant 0 : i32
    %sign3A_17 = arith.cmpi slt, %jit3A, %sign3A_16 : i32
    %sign3A_18 = arith.extui %sign3A_17 : i1 to i32
    %sign3A_19 = arith.subi %sign3A_15, %sign3A_18 : i32
    %ne3A = arith.cmpi ne, %sign3A_12, %sign3A_19 : i32
    %rem3A = arith.remsi %squeeze3A, %jit3A : i32
    %ne3A_20 = arith.constant 0 : i32
    %ne3A_21 = arith.cmpi ne, %rem3A, %ne3A_20 : i32
    %and3A = arith.andi %ne3A, %ne3A_21 : i1
    %sub3A = arith.constant 1 : i32
    %sub3A_22 = arith.subi %div3A, %sub3A : i32
    %select_n3A = arith.select %and3A, %sub3A_22, %div3A : i32
    %mul3A_23 = arith.constant 128 : i32
    %mul3A_24 = arith.muli %select_n3A, %mul3A_23 : i32
    %multiple_of3A = tpu.assume_multiple %mul3A_24, 128 : i32
    %dma_start3A = arith.constant 0 : i32
    %dma_start3A_25 = arith.constant 0 : i32
    %dma_start3A_26 = arith.constant 0 : i32
    %dma_start3A_27 = arith.constant 0 : i32
    %dma_start3A_28 = tpu.memref_slice %arg10[%dma_start3A, %dma_start3A_26, %dma_start3A_27] : memref<22x32x128xf32, #tpu.memory_space<vmem>> -> memref<1x32x128xf32, #tpu.memory_space<vmem>>
    %dma_start3A_29 = tpu.memref_squeeze %dma_start3A_28 : memref<1x32x128xf32, #tpu.memory_space<vmem>> -> memref<32x128xf32, #tpu.memory_space<vmem>>
    %dma_start3A_30 = arith.constant 0 : i32
    %dma_start3A_31 = tpu.memref_slice %arg2[%dma_start3A_30, %multiple_of3A] : memref<32x1000000xf32, #tpu.memory_space<hbm>> -> memref<32x128xf32, #tpu.memory_space<hbm>>
    %dma_start3A_32 = tpu.memref_slice %arg13[%dma_start3A_25] : memref<22x!tpu.dma_semaphore, #tpu.memory_space<semaphore_mem>> -> memref<1x!tpu.dma_semaphore, #tpu.memory_space<semaphore_mem>>
    %dma_start3A_33 = tpu.memref_squeeze %dma_start3A_32 : memref<1x!tpu.dma_semaphore, #tpu.memory_space<semaphore_mem>> -> memref<!tpu.dma_semaphore, #tpu.memory_space<semaphore_mem>>
    %dma_start3A_34 = arith.constant 0 : i32
    %dma_start3A_35 = arith.constant 0 : i32
    %dma_start3A_36 = tpu.memref_slice %arg10[%dma_start3A, %dma_start3A_34, %dma_start3A_35] : memref<22x32x128xf32, #tpu.memory_space<vmem>> -> memref<1x32x128xf32, #tpu.memory_space<vmem>>
    %dma_start3A_37 = tpu.memref_squeeze %dma_start3A_36 : memref<1x32x128xf32, #tpu.memory_space<vmem>> -> memref<32x128xf32, #tpu.memory_space<vmem>>
    %dma_start3A_38 = arith.constant 0 : i32
    %dma_start3A_39 = tpu.memref_slice %arg2[%dma_start3A_38, %multiple_of3A] : memref<32x1000000xf32, #tpu.memory_space<hbm>> -> memref<32x128xf32, #tpu.memory_space<hbm>>
    tpu.enqueue_dma source(%dma_start3A_39 : memref<32x128xf32, #tpu.memory_space<hbm>>) target(%dma_start3A_37 : memref<32x128xf32, #tpu.memory_space<vmem>>) target_semaphore(%dma_start3A_33 : memref<!tpu.dma_semaphore, #tpu.memory_space<semaphore_mem>>)
    %broadcast_in_dim3A_40 = arith.constant 0 : i32
    %broadcast_in_dim3A_41 = vector.broadcast %broadcast_in_dim3A_40 : i32 to vector<16xi32>
    %add3A_42 = arith.constant 0 : i32
    %add3A_43 = vector.broadcast %add3A_42 : i32 to vector<16xi32>
    %add3A_44 = arith.addi %broadcast_in_dim3A_41, %add3A_43 : vector<16xi32>
    %gather3A_45 = tpu.vector_load_idx %arg9[%add3A_44] : memref<512xi32, #tpu.memory_space<vmem>>[vector<16xi32>], vector<16xi32>,
    %slice3A_46 = vector.extract_strided_slice %gather3A_45 {offsets = [0], sizes = [1], strides = [1]} : vector<16xi32> to vector<1xi32>
    %squeeze3A_47 = vector.extract %slice3A_46[0] : i32 from vector<1xi32>
    %jit3A_48 = arith.constant 128 : i32
    %div3A_49 = arith.divsi %squeeze3A_47, %jit3A_48 : i32
    %sign3A_50 = arith.constant 0 : i32
    %sign3A_51 = arith.cmpi sgt, %squeeze3A_47, %sign3A_50 : i32
    %sign3A_52 = arith.extui %sign3A_51 : i1 to i32
    %sign3A_53 = arith.constant 0 : i32
    %sign3A_54 = arith.cmpi slt, %squeeze3A_47, %sign3A_53 : i32
    %sign3A_55 = arith.extui %sign3A_54 : i1 to i32
    %sign3A_56 = arith.subi %sign3A_52, %sign3A_55 : i32
    %sign3A_57 = arith.constant 0 : i32
    %sign3A_58 = arith.cmpi sgt, %jit3A_48, %sign3A_57 : i32
    %sign3A_59 = arith.extui %sign3A_58 : i1 to i32
    %sign3A_60 = arith.constant 0 : i32
    %sign3A_61 = arith.cmpi slt, %jit3A_48, %sign3A_60 : i32
    %sign3A_62 = arith.extui %sign3A_61 : i1 to i32
    %sign3A_63 = arith.subi %sign3A_59, %sign3A_62 : i32
    %ne3A_64 = arith.cmpi ne, %sign3A_56, %sign3A_63 : i32
    %rem3A_65 = arith.remsi %squeeze3A_47, %jit3A_48 : i32
    %ne3A_66 = arith.constant 0 : i32
    %ne3A_67 = arith.cmpi ne, %rem3A_65, %ne3A_66 : i32
    %and3A_68 = arith.andi %ne3A_64, %ne3A_67 : i1
    %sub3A_69 = arith.constant 1 : i32
    %sub3A_70 = arith.subi %div3A_49, %sub3A_69 : i32
    %select_n3A_71 = arith.select %and3A_68, %sub3A_70, %div3A_49 : i32
    %mul3A_72 = arith.constant 128 : i32
    %mul3A_73 = arith.muli %select_n3A_71, %mul3A_72 : i32
    %multiple_of3A_74 = tpu.assume_multiple %mul3A_73, 128 : i32
    %dma_start3A_75 = arith.constant 1 : i32
    %dma_start3A_76 = arith.constant 1 : i32
    %dma_start3A_77 = arith.constant 0 : i32
    %dma_start3A_78 = arith.constant 0 : i32
    %dma_start3A_79 = tpu.memref_slice %arg10[%dma_start3A_75, %dma_start3A_77, %dma_start3A_78] : memref<22x32x128xf32, #tpu.memory_space<vmem>> -> memref<1x32x128xf32, #tpu.memory_space<vmem>>
    %dma_start3A_80 = tpu.memref_squeeze %dma_start3A_79 : memref<1x32x128xf32, #tpu.memory_space<vmem>> -> memref<32x128xf32, #tpu.memory_space<vmem>>
    %dma_start3A_81 = arith.constant 0 : i32
    %dma_start3A_82 = tpu.memref_slice %arg3[%dma_start3A_81, %multiple_of3A_74] : memref<32x1000000xf32, #tpu.memory_space<hbm>> -> memref<32x128xf32, #tpu.memory_space<hbm>>
    %dma_start3A_83 = tpu.memref_slice %arg13[%dma_start3A_76] : memref<22x!tpu.dma_semaphore, #tpu.memory_space<semaphore_mem>> -> memref<1x!tpu.dma_semaphore, #tpu.memory_space<semaphore_mem>>
    %dma_start3A_84 = tpu.memref_squeeze %dma_start3A_83 : memref<1x!tpu.dma_semaphore, #tpu.memory_space<semaphore_mem>> -> memref<!tpu.dma_semaphore, #tpu.memory_space<semaphore_mem>>
    %dma_start3A_85 = arith.constant 0 : i32
    %dma_start3A_86 = arith.constant 0 : i32
    %dma_start3A_87 = tpu.memref_slice %arg10[%dma_start3A_75, %dma_start3A_85, %dma_start3A_86] : memref<22x32x128xf32, #tpu.memory_space<vmem>> -> memref<1x32x128xf32, #tpu.memory_space<vmem>>
    %dma_start3A_88 = tpu.memref_squeeze %dma_start3A_87 : memref<1x32x128xf32, #tpu.memory_space<vmem>> -> memref<32x128xf32, #tpu.memory_space<vmem>>
    %dma_start3A_89 = arith.constant 0 : i32
    %dma_start3A_90 = tpu.memref_slice %arg3[%dma_start3A_89, %multiple_of3A_74] : memref<32x1000000xf32, #tpu.memory_space<hbm>> -> memref<32x128xf32, #tpu.memory_space<hbm>>
    tpu.enqueue_dma source(%dma_start3A_90 : memref<32x128xf32, #tpu.memory_space<hbm>>) target(%dma_start3A_88 : memref<32x128xf32, #tpu.memory_space<vmem>>) target_semaphore(%dma_start3A_84 : memref<!tpu.dma_semaphore, #tpu.memory_space<semaphore_mem>>)
    %broadcast_in_dim3A_91 = arith.constant 0 : i32
    %broadcast_in_dim3A_92 = vector.broadcast %broadcast_in_dim3A_91 : i32 to vector<16xi32>
    %add3A_93 = arith.constant 1 : i32
    %add3A_94 = vector.broadcast %add3A_93 : i32 to vector<16xi32>
    %add3A_95 = arith.addi %broadcast_in_dim3A_92, %add3A_94 : vector<16xi32>
    %gather3A_96 = tpu.vector_load_idx %arg8[%add3A_95] : memref<512xi32, #tpu.memory_space<vmem>>[vector<16xi32>], vector<16xi32>,
    %slice3A_97 = vector.extract_strided_slice %gather3A_96 {offsets = [0], sizes = [1], strides = [1]} : vector<16xi32> to vector<1xi32>
    %squeeze3A_98 = vector.extract %slice3A_97[0] : i32 from vector<1xi32>
    %jit3A_99 = arith.constant 128 : i32
    %div3A_100 = arith.divsi %squeeze3A_98, %jit3A_99 : i32
    %sign3A_101 = arith.constant 0 : i32
    %sign3A_102 = arith.cmpi sgt, %squeeze3A_98, %sign3A_101 : i32
    %sign3A_103 = arith.extui %sign3A_102 : i1 to i32
    %sign3A_104 = arith.constant 0 : i32
    %sign3A_105 = arith.cmpi slt, %squeeze3A_98, %sign3A_104 : i32
    %sign3A_106 = arith.extui %sign3A_105 : i1 to i32
    %sign3A_107 = arith.subi %sign3A_103, %sign3A_106 : i32
    %sign3A_108 = arith.constant 0 : i32
    %sign3A_109 = arith.cmpi sgt, %jit3A_99, %sign3A_108 : i32
    %sign3A_110 = arith.extui %sign3A_109 : i1 to i32
    %sign3A_111 = arith.constant 0 : i32
    %sign3A_112 = arith.cmpi slt, %jit3A_99, %sign3A_111 : i32
    %sign3A_113 = arith.extui %sign3A_112 : i1 to i32
    %sign3A_114 = arith.subi %sign3A_110, %sign3A_113 : i32
    %ne3A_115 = arith.cmpi ne, %sign3A_107, %sign3A_114 : i32
    %rem3A_116 = arith.remsi %squeeze3A_98, %jit3A_99 : i32
    %ne3A_117 = arith.constant 0 : i32
    %ne3A_118 = arith.cmpi ne, %rem3A_116, %ne3A_117 : i32
    %and3A_119 = arith.andi %ne3A_115, %ne3A_118 : i1
    %sub3A_120 = arith.constant 1 : i32
    %sub3A_121 = arith.subi %div3A_100, %sub3A_120 : i32
    %select_n3A_122 = arith.select %and3A_119, %sub3A_121, %div3A_100 : i32
    %mul3A_123 = arith.constant 128 : i32
    %mul3A_124 = arith.muli %select_n3A_122, %mul3A_123 : i32
    %multiple_of3A_125 = tpu.assume_multiple %mul3A_124, 128 : i32
    %dma_start3A_126 = arith.constant 2 : i32
    %dma_start3A_127 = arith.constant 2 : i32
    %dma_start3A_128 = arith.constant 0 : i32
    %dma_start3A_129 = arith.constant 0 : i32
    %dma_start3A_130 = tpu.memref_slice %arg10[%dma_start3A_126, %dma_start3A_128, %dma_start3A_129] : memref<22x32x128xf32, #tpu.memory_space<vmem>> -> memref<1x32x128xf32, #tpu.memory_space<vmem>>
    %dma_start3A_131 = tpu.memref_squeeze %dma_start3A_130 : memref<1x32x128xf32, #tpu.memory_space<vmem>> -> memref<32x128xf32, #tpu.memory_space<vmem>>
    %dma_start3A_132 = arith.constant 0 : i32
    %dma_start3A_133 = tpu.memref_slice %arg2[%dma_start3A_132, %multiple_of3A_125] : memref<32x1000000xf32, #tpu.memory_space<hbm>> -> memref<32x128xf32, #tpu.memory_space<hbm>>
    %dma_start3A_134 = tpu.memref_slice %arg13[%dma_start3A_127] : memref<22x!tpu.dma_semaphore, #tpu.memory_space<semaphore_mem>> -> memref<1x!tpu.dma_semaphore, #tpu.memory_space<semaphore_mem>>
    %dma_start3A_135 = tpu.memref_squeeze %dma_start3A_134 : memref<1x!tpu.dma_semaphore, #tpu.memory_space<semaphore_mem>> -> memref<!tpu.dma_semaphore, #tpu.memory_space<semaphore_mem>>
    %dma_start3A_136 = arith.constant 0 : i32
    %dma_start3A_137 = arith.constant 0 : i32
    %dma_start3A_138 = tpu.memref_slice %arg10[%dma_start3A_126, %dma_start3A_136, %dma_start3A_137] : memref<22x32x128xf32, #tpu.memory_space<vmem>> -> memref<1x32x128xf32, #tpu.memory_space<vmem>>
    %dma_start3A_139 = tpu.memref_squeeze %dma_start3A_138 : memref<1x32x128xf32, #tpu.memory_space<vmem>> -> memref<32x128xf32, #tpu.memory_space<vmem>>
    %dma_start3A_140 = arith.constant 0 : i32
    %dma_start3A_141 = tpu.memref_slice %arg2[%dma_start3A_140, %multiple_of3A_125] : memref<32x1000000xf32, #tpu.memory_space<hbm>> -> memref<32x128xf32, #tpu.memory_space<hbm>>
    tpu.enqueue_dma source(%dma_start3A_141 : memref<32x128xf32, #tpu.memory_space<hbm>>) target(%dma_start3A_139 : memref<32x128xf32, #tpu.memory_space<vmem>>) target_semaphore(%dma_start3A_135 : memref<!tpu.dma_semaphore, #tpu.memory_space<semaphore_mem>>)
    %broadcast_in_dim3A_142 = arith.constant 0 : i32
    %broadcast_in_dim3A_143 = vector.broadcast %broadcast_in_dim3A_142 : i32 to vector<16xi32>
    %add3A_144 = arith.constant 1 : i32
    %add3A_145 = vector.broadcast %add3A_144 : i32 to vector<16xi32>
    %add3A_146 = arith.addi %broadcast_in_dim3A_143, %add3A_145 : vector<16xi32>
    %gather3A_147 = tpu.vector_load_idx %arg9[%add3A_146] : memref<512xi32, #tpu.memory_space<vmem>>[vector<16xi32>], vector<16xi32>,
    %slice3A_148 = vector.extract_strided_slice %gather3A_147 {offsets = [0], sizes = [1], strides = [1]} : vector<16xi32> to vector<1xi32>
    %squeeze3A_149 = vector.extract %slice3A_148[0] : i32 from vector<1xi32>
    %jit3A_150 = arith.constant 128 : i32
    %div3A_151 = arith.divsi %squeeze3A_149, %jit3A_150 : i32
    %sign3A_152 = arith.constant 0 : i32
    %sign3A_153 = arith.cmpi sgt, %squeeze3A_149, %sign3A_152 : i32
    %sign3A_154 = arith.extui %sign3A_153 : i1 to i32
    %sign3A_155 = arith.constant 0 : i32
    %sign3A_156 = arith.cmpi slt, %squeeze3A_149, %sign3A_155 : i32
    %sign3A_157 = arith.extui %sign3A_156 : i1 to i32
    %sign3A_158 = arith.subi %sign3A_154, %sign3A_157 : i32
    %sign3A_159 = arith.constant 0 : i32
    %sign3A_160 = arith.cmpi sgt, %jit3A_150, %sign3A_159 : i32
    %sign3A_161 = arith.extui %sign3A_160 : i1 to i32
    %sign3A_162 = arith.constant 0 : i32
    %sign3A_163 = arith.cmpi slt, %jit3A_150, %sign3A_162 : i32
    %sign3A_164 = arith.extui %sign3A_163 : i1 to i32
    %sign3A_165 = arith.subi %sign3A_161, %sign3A_164 : i32
    %ne3A_166 = arith.cmpi ne, %sign3A_158, %sign3A_165 : i32
    %rem3A_167 = arith.remsi %squeeze3A_149, %jit3A_150 : i32
    %ne3A_168 = arith.constant 0 : i32
    %ne3A_169 = arith.cmpi ne, %rem3A_167, %ne3A_168 : i32
    %and3A_170 = arith.andi %ne3A_166, %ne3A_169 : i1
    %sub3A_171 = arith.constant 1 : i32
    %sub3A_172 = arith.subi %div3A_151, %sub3A_171 : i32
    %select_n3A_173 = arith.select %and3A_170, %sub3A_172, %div3A_151 : i32
    %mul3A_174 = arith.constant 128 : i32
    %mul3A_175 = arith.muli %select_n3A_173, %mul3A_174 : i32
    %multiple_of3A_176 = tpu.assume_multiple %mul3A_175, 128 : i32
    %dma_start3A_177 = arith.constant 3 : i32
    %dma_start3A_178 = arith.constant 3 : i32
    %dma_start3A_179 = arith.constant 0 : i32
    %dma_start3A_180 = arith.constant 0 : i32
    %dma_start3A_181 = tpu.memref_slice %arg10[%dma_start3A_177, %dma_start3A_179, %dma_start3A_180] : memref<22x32x128xf32, #tpu.memory_space<vmem>> -> memref<1x32x128xf32, #tpu.memory_space<vmem>>
    %dma_start3A_182 = tpu.memref_squeeze %dma_start3A_181 : memref<1x32x128xf32, #tpu.memory_space<vmem>> -> memref<32x128xf32, #tpu.memory_space<vmem>>
    %dma_start3A_183 = arith.constant 0 : i32
    %dma_start3A_184 = tpu.memref_slice %arg3[%dma_start3A_183, %multiple_of3A_176] : memref<32x1000000xf32, #tpu.memory_space<hbm>> -> memref<32x128xf32, #tpu.memory_space<hbm>>
    %dma_start3A_185 = tpu.memref_slice %arg13[%dma_start3A_178] : memref<22x!tpu.dma_semaphore, #tpu.memory_space<semaphore_mem>> -> memref<1x!tpu.dma_semaphore, #tpu.memory_space<semaphore_mem>>
    %dma_start3A_186 = tpu.memref_squeeze %dma_start3A_185 : memref<1x!tpu.dma_semaphore, #tpu.memory_space<semaphore_mem>> -> memref<!tpu.dma_semaphore, #tpu.memory_space<semaphore_mem>>
    %dma_start3A_187 = arith.constant 0 : i32
    %dma_start3A_188 = arith.constant 0 : i32
    %dma_start3A_189 = tpu.memref_slice %arg10[%dma_start3A_177, %dma_start3A_187, %dma_start3A_188] : memref<22x32x128xf32, #tpu.memory_space<vmem>> -> memref<1x32x128xf32, #tpu.memory_space<vmem>>
    %dma_start3A_190 = tpu.memref_squeeze %dma_start3A_189 : memref<1x32x128xf32, #tpu.memory_space<vmem>> -> memref<32x128xf32, #tpu.memory_space<vmem>>
    %dma_start3A_191 = arith.constant 0 : i32
    %dma_start3A_192 = tpu.memref_slice %arg3[%dma_start3A_191, %multiple_of3A_176] : memref<32x1000000xf32, #tpu.memory_space<hbm>> -> memref<32x128xf32, #tpu.memory_space<hbm>>
    tpu.enqueue_dma source(%dma_start3A_192 : memref<32x128xf32, #tpu.memory_space<hbm>>) target(%dma_start3A_190 : memref<32x128xf32, #tpu.memory_space<vmem>>) target_semaphore(%dma_start3A_186 : memref<!tpu.dma_semaphore, #tpu.memory_space<semaphore_mem>>)
    %broadcast_in_dim3A_193 = arith.constant 0 : i32
    %broadcast_in_dim3A_194 = vector.broadcast %broadcast_in_dim3A_193 : i32 to vector<16xi32>
    %add3A_195 = arith.constant 2 : i32
    %add3A_196 = vector.broadcast %add3A_195 : i32 to vector<16xi32>
    %add3A_197 = arith.addi %broadcast_in_dim3A_194, %add3A_196 : vector<16xi32>
    %gather3A_198 = tpu.vector_load_idx %arg8[%add3A_197] : memref<512xi32, #tpu.memory_space<vmem>>[vector<16xi32>], vector<16xi32>,
    %slice3A_199 = vector.extract_strided_slice %gather3A_198 {offsets = [0], sizes = [1], strides = [1]} : vector<16xi32> to vector<1xi32>
    %squeeze3A_200 = vector.extract %slice3A_199[0] : i32 from vector<1xi32>
    %jit3A_201 = arith.constant 128 : i32
    %div3A_202 = arith.divsi %squeeze3A_200, %jit3A_201 : i32
    %sign3A_203 = arith.constant 0 : i32
    %sign3A_204 = arith.cmpi sgt, %squeeze3A_200, %sign3A_203 : i32
    %sign3A_205 = arith.extui %sign3A_204 : i1 to i32
    %sign3A_206 = arith.constant 0 : i32
    %sign3A_207 = arith.cmpi slt, %squeeze3A_200, %sign3A_206 : i32
    %sign3A_208 = arith.extui %sign3A_207 : i1 to i32
    %sign3A_209 = arith.subi %sign3A_205, %sign3A_208 : i32
    %sign3A_210 = arith.constant 0 : i32
    %sign3A_211 = arith.cmpi sgt, %jit3A_201, %sign3A_210 : i32
    %sign3A_212 = arith.extui %sign3A_211 : i1 to i32
    %sign3A_213 = arith.constant 0 : i32
    %sign3A_214 = arith.cmpi slt, %jit3A_201, %sign3A_213 : i32
    %sign3A_215 = arith.extui %sign3A_214 : i1 to i32
    %sign3A_216 = arith.subi %sign3A_212, %sign3A_215 : i32
    %ne3A_217 = arith.cmpi ne, %sign3A_209, %sign3A_216 : i32
    %rem3A_218 = arith.remsi %squeeze3A_200, %jit3A_201 : i32
    %ne3A_219 = arith.constant 0 : i32
    %ne3A_220 = arith.cmpi ne, %rem3A_218, %ne3A_219 : i32
    %and3A_221 = arith.andi %ne3A_217, %ne3A_220 : i1
    %sub3A_222 = arith.constant 1 : i32
    %sub3A_223 = arith.subi %div3A_202, %sub3A_222 : i32
    %select_n3A_224 = arith.select %and3A_221, %sub3A_223, %div3A_202 : i32
    %mul3A_225 = arith.constant 128 : i32
    %mul3A_226 = arith.muli %select_n3A_224, %mul3A_225 : i32
    %multiple_of3A_227 = tpu.assume_multiple %mul3A_226, 128 : i32
    %dma_start3A_228 = arith.constant 4 : i32
    %dma_start3A_229 = arith.constant 4 : i32
    %dma_start3A_230 = arith.constant 0 : i32
    %dma_start3A_231 = arith.constant 0 : i32
    %dma_start3A_232 = tpu.memref_slice %arg10[%dma_start3A_228, %dma_start3A_230, %dma_start3A_231] : memref<22x32x128xf32, #tpu.memory_space<vmem>> -> memref<1x32x128xf32, #tpu.memory_space<vmem>>
    %dma_start3A_233 = tpu.memref_squeeze %dma_start3A_232 : memref<1x32x128xf32, #tpu.memory_space<vmem>> -> memref<32x128xf32, #tpu.memory_space<vmem>>
    %dma_start3A_234 = arith.constant 0 : i32
    %dma_start3A_235 = tpu.memref_slice %arg2[%dma_start3A_234, %multiple_of3A_227] : memref<32x1000000xf32, #tpu.memory_space<hbm>> -> memref<32x128xf32, #tpu.memory_space<hbm>>
    %dma_start3A_236 = tpu.memref_slice %arg13[%dma_start3A_229] : memref<22x!tpu.dma_semaphore, #tpu.memory_space<semaphore_mem>> -> memref<1x!tpu.dma_semaphore, #tpu.memory_space<semaphore_mem>>
    %dma_start3A_237 = tpu.memref_squeeze %dma_start3A_236 : memref<1x!tpu.dma_semaphore, #tpu.memory_space<semaphore_mem>> -> memref<!tpu.dma_semaphore, #tpu.memory_space<semaphore_mem>>
    %dma_start3A_238 = arith.constant 0 : i32
    %dma_start3A_239 = arith.constant 0 : i32
    %dma_start3A_240 = tpu.memref_slice %arg10[%dma_start3A_228, %dma_start3A_238, %dma_start3A_239] : memref<22x32x128xf32, #tpu.memory_space<vmem>> -> memref<1x32x128xf32, #tpu.memory_space<vmem>>
    %dma_start3A_241 = tpu.memref_squeeze %dma_start3A_240 : memref<1x32x128xf32, #tpu.memory_space<vmem>> -> memref<32x128xf32, #tpu.memory_space<vmem>>
    %dma_start3A_242 = arith.constant 0 : i32
    %dma_start3A_243 = tpu.memref_slice %arg2[%dma_start3A_242, %multiple_of3A_227] : memref<32x1000000xf32, #tpu.memory_space<hbm>> -> memref<32x128xf32, #tpu.memory_space<hbm>>
    tpu.enqueue_dma source(%dma_start3A_243 : memref<32x128xf32, #tpu.memory_space<hbm>>) target(%dma_start3A_241 : memref<32x128xf32, #tpu.memory_space<vmem>>) target_semaphore(%dma_start3A_237 : memref<!tpu.dma_semaphore, #tpu.memory_space<semaphore_mem>>)
    %broadcast_in_dim3A_244 = arith.constant 0 : i32
    %broadcast_in_dim3A_245 = vector.broadcast %broadcast_in_dim3A_244 : i32 to vector<16xi32>
    %add3A_246 = arith.constant 2 : i32
    %add3A_247 = vector.broadcast %add3A_246 : i32 to vector<16xi32>
    %add3A_248 = arith.addi %broadcast_in_dim3A_245, %add3A_247 : vector<16xi32>
    %gather3A_249 = tpu.vector_load_idx %arg9[%add3A_248] : memref<512xi32, #tpu.memory_space<vmem>>[vector<16xi32>], vector<16xi32>,
    %slice3A_250 = vector.extract_strided_slice %gather3A_249 {offsets = [0], sizes = [1], strides = [1]} : vector<16xi32> to vector<1xi32>
    %squeeze3A_251 = vector.extract %slice3A_250[0] : i32 from vector<1xi32>
    %jit3A_252 = arith.constant 128 : i32
    %div3A_253 = arith.divsi %squeeze3A_251, %jit3A_252 : i32
    %sign3A_254 = arith.constant 0 : i32
    %sign3A_255 = arith.cmpi sgt, %squeeze3A_251, %sign3A_254 : i32
    %sign3A_256 = arith.extui %sign3A_255 : i1 to i32
    %sign3A_257 = arith.constant 0 : i32
    %sign3A_258 = arith.cmpi slt, %squeeze3A_251, %sign3A_257 : i32
    %sign3A_259 = arith.extui %sign3A_258 : i1 to i32
    %sign3A_260 = arith.subi %sign3A_256, %sign3A_259 : i32
    %sign3A_261 = arith.constant 0 : i32
    %sign3A_262 = arith.cmpi sgt, %jit3A_252, %sign3A_261 : i32
    %sign3A_263 = arith.extui %sign3A_262 : i1 to i32
    %sign3A_264 = arith.constant 0 : i32
    %sign3A_265 = arith.cmpi slt, %jit3A_252, %sign3A_264 : i32
    %sign3A_266 = arith.extui %sign3A_265 : i1 to i32
    %sign3A_267 = arith.subi %sign3A_263, %sign3A_266 : i32
    %ne3A_268 = arith.cmpi ne, %sign3A_260, %sign3A_267 : i32
    %rem3A_269 = arith.remsi %squeeze3A_251, %jit3A_252 : i32
    %ne3A_270 = arith.constant 0 : i32
    %ne3A_271 = arith.cmpi ne, %rem3A_269, %ne3A_270 : i32
    %and3A_272 = arith.andi %ne3A_268, %ne3A_271 : i1
    %sub3A_273 = arith.constant 1 : i32
    %sub3A_274 = arith.subi %div3A_253, %sub3A_273 : i32
    %select_n3A_275 = arith.select %and3A_272, %sub3A_274, %div3A_253 : i32
    %mul3A_276 = arith.constant 128 : i32
    %mul3A_277 = arith.muli %select_n3A_275, %mul3A_276 : i32
    %multiple_of3A_278 = tpu.assume_multiple %mul3A_277, 128 : i32
    %dma_start3A_279 = arith.constant 5 : i32
    %dma_start3A_280 = arith.constant 5 : i32
    %dma_start3A_281 = arith.constant 0 : i32
    %dma_start3A_282 = arith.constant 0 : i32
    %dma_start3A_283 = tpu.memref_slice %arg10[%dma_start3A_279, %dma_start3A_281, %dma_start3A_282] : memref<22x32x128xf32, #tpu.memory_space<vmem>> -> memref<1x32x128xf32, #tpu.memory_space<vmem>>
    %dma_start3A_284 = tpu.memref_squeeze %dma_start3A_283 : memref<1x32x128xf32, #tpu.memory_space<vmem>> -> memref<32x128xf32, #tpu.memory_space<vmem>>
    %dma_start3A_285 = arith.constant 0 : i32
    %dma_start3A_286 = tpu.memref_slice %arg3[%dma_start3A_285, %multiple_of3A_278] : memref<32x1000000xf32, #tpu.memory_space<hbm>> -> memref<32x128xf32, #tpu.memory_space<hbm>>
    %dma_start3A_287 = tpu.memref_slice %arg13[%dma_start3A_280] : memref<22x!tpu.dma_semaphore, #tpu.memory_space<semaphore_mem>> -> memref<1x!tpu.dma_semaphore, #tpu.memory_space<semaphore_mem>>
    %dma_start3A_288 = tpu.memref_squeeze %dma_start3A_287 : memref<1x!tpu.dma_semaphore, #tpu.memory_space<semaphore_mem>> -> memref<!tpu.dma_semaphore, #tpu.memory_space<semaphore_mem>>
    %dma_start3A_289 = arith.constant 0 : i32
    %dma_start3A_290 = arith.constant 0 : i32
    %dma_start3A_291 = tpu.memref_slice %arg10[%dma_start3A_279, %dma_start3A_289, %dma_start3A_290] : memref<22x32x128xf32, #tpu.memory_space<vmem>> -> memref<1x32x128xf32, #tpu.memory_space<vmem>>
    %dma_start3A_292 = tpu.memref_squeeze %dma_start3A_291 : memref<1x32x128xf32, #tpu.memory_space<vmem>> -> memref<32x128xf32, #tpu.memory_space<vmem>>
    %dma_start3A_293 = arith.constant 0 : i32
    %dma_start3A_294 = tpu.memref_slice %arg3[%dma_start3A_293, %multiple_of3A_278] : memref<32x1000000xf32, #tpu.memory_space<hbm>> -> memref<32x128xf32, #tpu.memory_space<hbm>>
    tpu.enqueue_dma source(%dma_start3A_294 : memref<32x128xf32, #tpu.memory_space<hbm>>) target(%dma_start3A_292 : memref<32x128xf32, #tpu.memory_space<vmem>>) target_semaphore(%dma_start3A_288 : memref<!tpu.dma_semaphore, #tpu.memory_space<semaphore_mem>>)
    %broadcast_in_dim3A_295 = arith.constant 0 : i32
    %broadcast_in_dim3A_296 = vector.broadcast %broadcast_in_dim3A_295 : i32 to vector<16xi32>
    %add3A_297 = arith.constant 3 : i32
    %add3A_298 = vector.broadcast %add3A_297 : i32 to vector<16xi32>
    %add3A_299 = arith.addi %broadcast_in_dim3A_296, %add3A_298 : vector<16xi32>
    %gather3A_300 = tpu.vector_load_idx %arg8[%add3A_299] : memref<512xi32, #tpu.memory_space<vmem>>[vector<16xi32>], vector<16xi32>,
    %slice3A_301 = vector.extract_strided_slice %gather3A_300 {offsets = [0], sizes = [1], strides = [1]} : vector<16xi32> to vector<1xi32>
    %squeeze3A_302 = vector.extract %slice3A_301[0] : i32 from vector<1xi32>
    %jit3A_303 = arith.constant 128 : i32
    %div3A_304 = arith.divsi %squeeze3A_302, %jit3A_303 : i32
    %sign3A_305 = arith.constant 0 : i32
    %sign3A_306 = arith.cmpi sgt, %squeeze3A_302, %sign3A_305 : i32
    %sign3A_307 = arith.extui %sign3A_306 : i1 to i32
    %sign3A_308 = arith.constant 0 : i32
    %sign3A_309 = arith.cmpi slt, %squeeze3A_302, %sign3A_308 : i32
    %sign3A_310 = arith.extui %sign3A_309 : i1 to i32
    %sign3A_311 = arith.subi %sign3A_307, %sign3A_310 : i32
    %sign3A_312 = arith.constant 0 : i32
    %sign3A_313 = arith.cmpi sgt, %jit3A_303, %sign3A_312 : i32
    %sign3A_314 = arith.extui %sign3A_313 : i1 to i32
    %sign3A_315 = arith.constant 0 : i32
    %sign3A_316 = arith.cmpi slt, %jit3A_303, %sign3A_315 : i32
    %sign3A_317 = arith.extui %sign3A_316 : i1 to i32
    %sign3A_318 = arith.subi %sign3A_314, %sign3A_317 : i32
    %ne3A_319 = arith.cmpi ne, %sign3A_311, %sign3A_318 : i32
    %rem3A_320 = arith.remsi %squeeze3A_302, %jit3A_303 : i32
    %ne3A_321 = arith.constant 0 : i32
    %ne3A_322 = arith.cmpi ne, %rem3A_320, %ne3A_321 : i32
    %and3A_323 = arith.andi %ne3A_319, %ne3A_322 : i1
    %sub3A_324 = arith.constant 1 : i32
    %sub3A_325 = arith.subi %div3A_304, %sub3A_324 : i32
    %select_n3A_326 = arith.select %and3A_323, %sub3A_325, %div3A_304 : i32
    %mul3A_327 = arith.constant 128 : i32
    %mul3A_328 = arith.muli %select_n3A_326, %mul3A_327 : i32
    %multiple_of3A_329 = tpu.assume_multiple %mul3A_328, 128 : i32
    %dma_start3A_330 = arith.constant 6 : i32
    %dma_start3A_331 = arith.constant 6 : i32
    %dma_start3A_332 = arith.constant 0 : i32
    %dma_start3A_333 = arith.constant 0 : i32
    %dma_start3A_334 = tpu.memref_slice %arg10[%dma_start3A_330, %dma_start3A_332, %dma_start3A_333] : memref<22x32x128xf32, #tpu.memory_space<vmem>> -> memref<1x32x128xf32, #tpu.memory_space<vmem>>
    %dma_start3A_335 = tpu.memref_squeeze %dma_start3A_334 : memref<1x32x128xf32, #tpu.memory_space<vmem>> -> memref<32x128xf32, #tpu.memory_space<vmem>>
    %dma_start3A_336 = arith.constant 0 : i32
    %dma_start3A_337 = tpu.memref_slice %arg2[%dma_start3A_336, %multiple_of3A_329] : memref<32x1000000xf32, #tpu.memory_space<hbm>> -> memref<32x128xf32, #tpu.memory_space<hbm>>
    %dma_start3A_338 = tpu.memref_slice %arg13[%dma_start3A_331] : memref<22x!tpu.dma_semaphore, #tpu.memory_space<semaphore_mem>> -> memref<1x!tpu.dma_semaphore, #tpu.memory_space<semaphore_mem>>
    %dma_start3A_339 = tpu.memref_squeeze %dma_start3A_338 : memref<1x!tpu.dma_semaphore, #tpu.memory_space<semaphore_mem>> -> memref<!tpu.dma_semaphore, #tpu.memory_space<semaphore_mem>>
    %dma_start3A_340 = arith.constant 0 : i32
    %dma_start3A_341 = arith.constant 0 : i32
    %dma_start3A_342 = tpu.memref_slice %arg10[%dma_start3A_330, %dma_start3A_340, %dma_start3A_341] : memref<22x32x128xf32, #tpu.memory_space<vmem>> -> memref<1x32x128xf32, #tpu.memory_space<vmem>>
    %dma_start3A_343 = tpu.memref_squeeze %dma_start3A_342 : memref<1x32x128xf32, #tpu.memory_space<vmem>> -> memref<32x128xf32, #tpu.memory_space<vmem>>
    %dma_start3A_344 = arith.constant 0 : i32
    %dma_start3A_345 = tpu.memref_slice %arg2[%dma_start3A_344, %multiple_of3A_329] : memref<32x1000000xf32, #tpu.memory_space<hbm>> -> memref<32x128xf32, #tpu.memory_space<hbm>>
    tpu.enqueue_dma source(%dma_start3A_345 : memref<32x128xf32, #tpu.memory_space<hbm>>) target(%dma_start3A_343 : memref<32x128xf32, #tpu.memory_space<vmem>>) target_semaphore(%dma_start3A_339 : memref<!tpu.dma_semaphore, #tpu.memory_space<semaphore_mem>>)
    %broadcast_in_dim3A_346 = arith.constant 0 : i32
    %broadcast_in_dim3A_347 = vector.broadcast %broadcast_in_dim3A_346 : i32 to vector<16xi32>
    %add3A_348 = arith.constant 3 : i32
    %add3A_349 = vector.broadcast %add3A_348 : i32 to vector<16xi32>
    %add3A_350 = arith.addi %broadcast_in_dim3A_347, %add3A_349 : vector<16xi32>
    %gather3A_351 = tpu.vector_load_idx %arg9[%add3A_350] : memref<512xi32, #tpu.memory_space<vmem>>[vector<16xi32>], vector<16xi32>,
    %slice3A_352 = vector.extract_strided_slice %gather3A_351 {offsets = [0], sizes = [1], strides = [1]} : vector<16xi32> to vector<1xi32>
    %squeeze3A_353 = vector.extract %slice3A_352[0] : i32 from vector<1xi32>
    %jit3A_354 = arith.constant 128 : i32
    %div3A_355 = arith.divsi %squeeze3A_353, %jit3A_354 : i32
    %sign3A_356 = arith.constant 0 : i32
    %sign3A_357 = arith.cmpi sgt, %squeeze3A_353, %sign3A_356 : i32
    %sign3A_358 = arith.extui %sign3A_357 : i1 to i32
    %sign3A_359 = arith.constant 0 : i32
    %sign3A_360 = arith.cmpi slt, %squeeze3A_353, %sign3A_359 : i32
    %sign3A_361 = arith.extui %sign3A_360 : i1 to i32
    %sign3A_362 = arith.subi %sign3A_358, %sign3A_361 : i32
    %sign3A_363 = arith.constant 0 : i32
    %sign3A_364 = arith.cmpi sgt, %jit3A_354, %sign3A_363 : i32
    %sign3A_365 = arith.extui %sign3A_364 : i1 to i32
    %sign3A_366 = arith.constant 0 : i32
    %sign3A_367 = arith.cmpi slt, %jit3A_354, %sign3A_366 : i32
    %sign3A_368 = arith.extui %sign3A_367 : i1 to i32
    %sign3A_369 = arith.subi %sign3A_365, %sign3A_368 : i32
    %ne3A_370 = arith.cmpi ne, %sign3A_362, %sign3A_369 : i32
    %rem3A_371 = arith.remsi %squeeze3A_353, %jit3A_354 : i32
    %ne3A_372 = arith.constant 0 : i32
    %ne3A_373 = arith.cmpi ne, %rem3A_371, %ne3A_372 : i32
    %and3A_374 = arith.andi %ne3A_370, %ne3A_373 : i1
    %sub3A_375 = arith.constant 1 : i32
    %sub3A_376 = arith.subi %div3A_355, %sub3A_375 : i32
    %select_n3A_377 = arith.select %and3A_374, %sub3A_376, %div3A_355 : i32
    %mul3A_378 = arith.constant 128 : i32
    %mul3A_379 = arith.muli %select_n3A_377, %mul3A_378 : i32
    %multiple_of3A_380 = tpu.assume_multiple %mul3A_379, 128 : i32
    %dma_start3A_381 = arith.constant 7 : i32
    %dma_start3A_382 = arith.constant 7 : i32
    %dma_start3A_383 = arith.constant 0 : i32
    %dma_start3A_384 = arith.constant 0 : i32
    %dma_start3A_385 = tpu.memref_slice %arg10[%dma_start3A_381, %dma_start3A_383, %dma_start3A_384] : memref<22x32x128xf32, #tpu.memory_space<vmem>> -> memref<1x32x128xf32, #tpu.memory_space<vmem>>
    %dma_start3A_386 = tpu.memref_squeeze %dma_start3A_385 : memref<1x32x128xf32, #tpu.memory_space<vmem>> -> memref<32x128xf32, #tpu.memory_space<vmem>>
    %dma_start3A_387 = arith.constant 0 : i32
    %dma_start3A_388 = tpu.memref_slice %arg3[%dma_start3A_387, %multiple_of3A_380] : memref<32x1000000xf32, #tpu.memory_space<hbm>> -> memref<32x128xf32, #tpu.memory_space<hbm>>
    %dma_start3A_389 = tpu.memref_slice %arg13[%dma_start3A_382] : memref<22x!tpu.dma_semaphore, #tpu.memory_space<semaphore_mem>> -> memref<1x!tpu.dma_semaphore, #tpu.memory_space<semaphore_mem>>
    %dma_start3A_390 = tpu.memref_squeeze %dma_start3A_389 : memref<1x!tpu.dma_semaphore, #tpu.memory_space<semaphore_mem>> -> memref<!tpu.dma_semaphore, #tpu.memory_space<semaphore_mem>>
    %dma_start3A_391 = arith.constant 0 : i32
    %dma_start3A_392 = arith.constant 0 : i32
    %dma_start3A_393 = tpu.memref_slice %arg10[%dma_start3A_381, %dma_start3A_391, %dma_start3A_392] : memref<22x32x128xf32, #tpu.memory_space<vmem>> -> memref<1x32x128xf32, #tpu.memory_space<vmem>>
    %dma_start3A_394 = tpu.memref_squeeze %dma_start3A_393 : memref<1x32x128xf32, #tpu.memory_space<vmem>> -> memref<32x128xf32, #tpu.memory_space<vmem>>
    %dma_start3A_395 = arith.constant 0 : i32
    %dma_start3A_396 = tpu.memref_slice %arg3[%dma_start3A_395, %multiple_of3A_380] : memref<32x1000000xf32, #tpu.memory_space<hbm>> -> memref<32x128xf32, #tpu.memory_space<hbm>>
    tpu.enqueue_dma source(%dma_start3A_396 : memref<32x128xf32, #tpu.memory_space<hbm>>) target(%dma_start3A_394 : memref<32x128xf32, #tpu.memory_space<vmem>>) target_semaphore(%dma_start3A_390 : memref<!tpu.dma_semaphore, #tpu.memory_space<semaphore_mem>>)
    %broadcast_in_dim3A_397 = arith.constant 0 : i32
    %broadcast_in_dim3A_398 = vector.broadcast %broadcast_in_dim3A_397 : i32 to vector<16xi32>
    %add3A_399 = arith.constant 4 : i32
    %add3A_400 = vector.broadcast %add3A_399 : i32 to vector<16xi32>
    %add3A_401 = arith.addi %broadcast_in_dim3A_398, %add3A_400 : vector<16xi32>
    %gather3A_402 = tpu.vector_load_idx %arg8[%add3A_401] : memref<512xi32, #tpu.memory_space<vmem>>[vector<16xi32>], vector<16xi32>,
    %slice3A_403 = vector.extract_strided_slice %gather3A_402 {offsets = [0], sizes = [1], strides = [1]} : vector<16xi32> to vector<1xi32>
    %squeeze3A_404 = vector.extract %slice3A_403[0] : i32 from vector<1xi32>
    %jit3A_405 = arith.constant 128 : i32
    %div3A_406 = arith.divsi %squeeze3A_404, %jit3A_405 : i32
    %sign3A_407 = arith.constant 0 : i32
    %sign3A_408 = arith.cmpi sgt, %squeeze3A_404, %sign3A_407 : i32
    %sign3A_409 = arith.extui %sign3A_408 : i1 to i32
    %sign3A_410 = arith.constant 0 : i32
    %sign3A_411 = arith.cmpi slt, %squeeze3A_404, %sign3A_410 : i32
    %sign3A_412 = arith.extui %sign3A_411 : i1 to i32
    %sign3A_413 = arith.subi %sign3A_409, %sign3A_412 : i32
    %sign3A_414 = arith.constant 0 : i32
    %sign3A_415 = arith.cmpi sgt, %jit3A_405, %sign3A_414 : i32
    %sign3A_416 = arith.extui %sign3A_415 : i1 to i32
    %sign3A_417 = arith.constant 0 : i32
    %sign3A_418 = arith.cmpi slt, %jit3A_405, %sign3A_417 : i32
    %sign3A_419 = arith.extui %sign3A_418 : i1 to i32
    %sign3A_420 = arith.subi %sign3A_416, %sign3A_419 : i32
    %ne3A_421 = arith.cmpi ne, %sign3A_413, %sign3A_420 : i32
    %rem3A_422 = arith.remsi %squeeze3A_404, %jit3A_405 : i32
    %ne3A_423 = arith.constant 0 : i32
    %ne3A_424 = arith.cmpi ne, %rem3A_422, %ne3A_423 : i32
    %and3A_425 = arith.andi %ne3A_421, %ne3A_424 : i1
    %sub3A_426 = arith.constant 1 : i32
    %sub3A_427 = arith.subi %div3A_406, %sub3A_426 : i32
    %select_n3A_428 = arith.select %and3A_425, %sub3A_427, %div3A_406 : i32
    %mul3A_429 = arith.constant 128 : i32
    %mul3A_430 = arith.muli %select_n3A_428, %mul3A_429 : i32
    %multiple_of3A_431 = tpu.assume_multiple %mul3A_430, 128 : i32
    %dma_start3A_432 = arith.constant 8 : i32
    %dma_start3A_433 = arith.constant 8 : i32
    %dma_start3A_434 = arith.constant 0 : i32
    %dma_start3A_435 = arith.constant 0 : i32
    %dma_start3A_436 = tpu.memref_slice %arg10[%dma_start3A_432, %dma_start3A_434, %dma_start3A_435] : memref<22x32x128xf32, #tpu.memory_space<vmem>> -> memref<1x32x128xf32, #tpu.memory_space<vmem>>
    %dma_start3A_437 = tpu.memref_squeeze %dma_start3A_436 : memref<1x32x128xf32, #tpu.memory_space<vmem>> -> memref<32x128xf32, #tpu.memory_space<vmem>>
    %dma_start3A_438 = arith.constant 0 : i32
    %dma_start3A_439 = tpu.memref_slice %arg2[%dma_start3A_438, %multiple_of3A_431] : memref<32x1000000xf32, #tpu.memory_space<hbm>> -> memref<32x128xf32, #tpu.memory_space<hbm>>
    %dma_start3A_440 = tpu.memref_slice %arg13[%dma_start3A_433] : memref<22x!tpu.dma_semaphore, #tpu.memory_space<semaphore_mem>> -> memref<1x!tpu.dma_semaphore, #tpu.memory_space<semaphore_mem>>
    %dma_start3A_441 = tpu.memref_squeeze %dma_start3A_440 : memref<1x!tpu.dma_semaphore, #tpu.memory_space<semaphore_mem>> -> memref<!tpu.dma_semaphore, #tpu.memory_space<semaphore_mem>>
    %dma_start3A_442 = arith.constant 0 : i32
    %dma_start3A_443 = arith.constant 0 : i32
    %dma_start3A_444 = tpu.memref_slice %arg10[%dma_start3A_432, %dma_start3A_442, %dma_start3A_443] : memref<22x32x128xf32, #tpu.memory_space<vmem>> -> memref<1x32x128xf32, #tpu.memory_space<vmem>>
    %dma_start3A_445 = tpu.memref_squeeze %dma_start3A_444 : memref<1x32x128xf32, #tpu.memory_space<vmem>> -> memref<32x128xf32, #tpu.memory_space<vmem>>
    %dma_start3A_446 = arith.constant 0 : i32
    %dma_start3A_447 = tpu.memref_slice %arg2[%dma_start3A_446, %multiple_of3A_431] : memref<32x1000000xf32, #tpu.memory_space<hbm>> -> memref<32x128xf32, #tpu.memory_space<hbm>>
    tpu.enqueue_dma source(%dma_start3A_447 : memref<32x128xf32, #tpu.memory_space<hbm>>) target(%dma_start3A_445 : memref<32x128xf32, #tpu.memory_space<vmem>>) target_semaphore(%dma_start3A_441 : memref<!tpu.dma_semaphore, #tpu.memory_space<semaphore_mem>>)
    %broadcast_in_dim3A_448 = arith.constant 0 : i32
    %broadcast_in_dim3A_449 = vector.broadcast %broadcast_in_dim3A_448 : i32 to vector<16xi32>
    %add3A_450 = arith.constant 4 : i32
    %add3A_451 = vector.broadcast %add3A_450 : i32 to vector<16xi32>
    %add3A_452 = arith.addi %broadcast_in_dim3A_449, %add3A_451 : vector<16xi32>
    %gather3A_453 = tpu.vector_load_idx %arg9[%add3A_452] : memref<512xi32, #tpu.memory_space<vmem>>[vector<16xi32>], vector<16xi32>,
    %slice3A_454 = vector.extract_strided_slice %gather3A_453 {offsets = [0], sizes = [1], strides = [1]} : vector<16xi32> to vector<1xi32>
    %squeeze3A_455 = vector.extract %slice3A_454[0] : i32 from vector<1xi32>
    %jit3A_456 = arith.constant 128 : i32
    %div3A_457 = arith.divsi %squeeze3A_455, %jit3A_456 : i32
    %sign3A_458 = arith.constant 0 : i32
    %sign3A_459 = arith.cmpi sgt, %squeeze3A_455, %sign3A_458 : i32
    %sign3A_460 = arith.extui %sign3A_459 : i1 to i32
    %sign3A_461 = arith.constant 0 : i32
    %sign3A_462 = arith.cmpi slt, %squeeze3A_455, %sign3A_461 : i32
    %sign3A_463 = arith.extui %sign3A_462 : i1 to i32
    %sign3A_464 = arith.subi %sign3A_460, %sign3A_463 : i32
    %sign3A_465 = arith.constant 0 : i32
    %sign3A_466 = arith.cmpi sgt, %jit3A_456, %sign3A_465 : i32
    %sign3A_467 = arith.extui %sign3A_466 : i1 to i32
    %sign3A_468 = arith.constant 0 : i32
    %sign3A_469 = arith.cmpi slt, %jit3A_456, %sign3A_468 : i32
    %sign3A_470 = arith.extui %sign3A_469 : i1 to i32
    %sign3A_471 = arith.subi %sign3A_467, %sign3A_470 : i32
    %ne3A_472 = arith.cmpi ne, %sign3A_464, %sign3A_471 : i32
    %rem3A_473 = arith.remsi %squeeze3A_455, %jit3A_456 : i32
    %ne3A_474 = arith.constant 0 : i32
    %ne3A_475 = arith.cmpi ne, %rem3A_473, %ne3A_474 : i32
    %and3A_476 = arith.andi %ne3A_472, %ne3A_475 : i1
    %sub3A_477 = arith.constant 1 : i32
    %sub3A_478 = arith.subi %div3A_457, %sub3A_477 : i32
    %select_n3A_479 = arith.select %and3A_476, %sub3A_478, %div3A_457 : i32
    %mul3A_480 = arith.constant 128 : i32
    %mul3A_481 = arith.muli %select_n3A_479, %mul3A_480 : i32
    %multiple_of3A_482 = tpu.assume_multiple %mul3A_481, 128 : i32
    %dma_start3A_483 = arith.constant 9 : i32
    %dma_start3A_484 = arith.constant 9 : i32
    %dma_start3A_485 = arith.constant 0 : i32
    %dma_start3A_486 = arith.constant 0 : i32
    %dma_start3A_487 = tpu.memref_slice %arg10[%dma_start3A_483, %dma_start3A_485, %dma_start3A_486] : memref<22x32x128xf32, #tpu.memory_space<vmem>> -> memref<1x32x128xf32, #tpu.memory_space<vmem>>
    %dma_start3A_488 = tpu.memref_squeeze %dma_start3A_487 : memref<1x32x128xf32, #tpu.memory_space<vmem>> -> memref<32x128xf32, #tpu.memory_space<vmem>>
    %dma_start3A_489 = arith.constant 0 : i32
    %dma_start3A_490 = tpu.memref_slice %arg3[%dma_start3A_489, %multiple_of3A_482] : memref<32x1000000xf32, #tpu.memory_space<hbm>> -> memref<32x128xf32, #tpu.memory_space<hbm>>
    %dma_start3A_491 = tpu.memref_slice %arg13[%dma_start3A_484] : memref<22x!tpu.dma_semaphore, #tpu.memory_space<semaphore_mem>> -> memref<1x!tpu.dma_semaphore, #tpu.memory_space<semaphore_mem>>
    %dma_start3A_492 = tpu.memref_squeeze %dma_start3A_491 : memref<1x!tpu.dma_semaphore, #tpu.memory_space<semaphore_mem>> -> memref<!tpu.dma_semaphore, #tpu.memory_space<semaphore_mem>>
    %dma_start3A_493 = arith.constant 0 : i32
    %dma_start3A_494 = arith.constant 0 : i32
    %dma_start3A_495 = tpu.memref_slice %arg10[%dma_start3A_483, %dma_start3A_493, %dma_start3A_494] : memref<22x32x128xf32, #tpu.memory_space<vmem>> -> memref<1x32x128xf32, #tpu.memory_space<vmem>>
    %dma_start3A_496 = tpu.memref_squeeze %dma_start3A_495 : memref<1x32x128xf32, #tpu.memory_space<vmem>> -> memref<32x128xf32, #tpu.memory_space<vmem>>
    %dma_start3A_497 = arith.constant 0 : i32
    %dma_start3A_498 = tpu.memref_slice %arg3[%dma_start3A_497, %multiple_of3A_482] : memref<32x1000000xf32, #tpu.memory_space<hbm>> -> memref<32x128xf32, #tpu.memory_space<hbm>>
    tpu.enqueue_dma source(%dma_start3A_498 : memref<32x128xf32, #tpu.memory_space<hbm>>) target(%dma_start3A_496 : memref<32x128xf32, #tpu.memory_space<vmem>>) target_semaphore(%dma_start3A_492 : memref<!tpu.dma_semaphore, #tpu.memory_space<semaphore_mem>>)
    %broadcast_in_dim3A_499 = arith.constant 0 : i32
    %broadcast_in_dim3A_500 = vector.broadcast %broadcast_in_dim3A_499 : i32 to vector<16xi32>
    %add3A_501 = arith.constant 5 : i32
    %add3A_502 = vector.broadcast %add3A_501 : i32 to vector<16xi32>
    %add3A_503 = arith.addi %broadcast_in_dim3A_500, %add3A_502 : vector<16xi32>
    %gather3A_504 = tpu.vector_load_idx %arg8[%add3A_503] : memref<512xi32, #tpu.memory_space<vmem>>[vector<16xi32>], vector<16xi32>,
    %slice3A_505 = vector.extract_strided_slice %gather3A_504 {offsets = [0], sizes = [1], strides = [1]} : vector<16xi32> to vector<1xi32>
    %squeeze3A_506 = vector.extract %slice3A_505[0] : i32 from vector<1xi32>
    %jit3A_507 = arith.constant 128 : i32
    %div3A_508 = arith.divsi %squeeze3A_506, %jit3A_507 : i32
    %sign3A_509 = arith.constant 0 : i32
    %sign3A_510 = arith.cmpi sgt, %squeeze3A_506, %sign3A_509 : i32
    %sign3A_511 = arith.extui %sign3A_510 : i1 to i32
    %sign3A_512 = arith.constant 0 : i32
    %sign3A_513 = arith.cmpi slt, %squeeze3A_506, %sign3A_512 : i32
    %sign3A_514 = arith.extui %sign3A_513 : i1 to i32
    %sign3A_515 = arith.subi %sign3A_511, %sign3A_514 : i32
    %sign3A_516 = arith.constant 0 : i32
    %sign3A_517 = arith.cmpi sgt, %jit3A_507, %sign3A_516 : i32
    %sign3A_518 = arith.extui %sign3A_517 : i1 to i32
    %sign3A_519 = arith.constant 0 : i32
    %sign3A_520 = arith.cmpi slt, %jit3A_507, %sign3A_519 : i32
    %sign3A_521 = arith.extui %sign3A_520 : i1 to i32
    %sign3A_522 = arith.subi %sign3A_518, %sign3A_521 : i32
    %ne3A_523 = arith.cmpi ne, %sign3A_515, %sign3A_522 : i32
    %rem3A_524 = arith.remsi %squeeze3A_506, %jit3A_507 : i32
    %ne3A_525 = arith.constant 0 : i32
    %ne3A_526 = arith.cmpi ne, %rem3A_524, %ne3A_525 : i32
    %and3A_527 = arith.andi %ne3A_523, %ne3A_526 : i1
    %sub3A_528 = arith.constant 1 : i32
    %sub3A_529 = arith.subi %div3A_508, %sub3A_528 : i32
    %select_n3A_530 = arith.select %and3A_527, %sub3A_529, %div3A_508 : i32
    %mul3A_531 = arith.constant 128 : i32
    %mul3A_532 = arith.muli %select_n3A_530, %mul3A_531 : i32
    %multiple_of3A_533 = tpu.assume_multiple %mul3A_532, 128 : i32
    %dma_start3A_534 = arith.constant 10 : i32
    %dma_start3A_535 = arith.constant 10 : i32
    %dma_start3A_536 = arith.constant 0 : i32
    %dma_start3A_537 = arith.constant 0 : i32
    %dma_start3A_538 = tpu.memref_slice %arg10[%dma_start3A_534, %dma_start3A_536, %dma_start3A_537] : memref<22x32x128xf32, #tpu.memory_space<vmem>> -> memref<1x32x128xf32, #tpu.memory_space<vmem>>
    %dma_start3A_539 = tpu.memref_squeeze %dma_start3A_538 : memref<1x32x128xf32, #tpu.memory_space<vmem>> -> memref<32x128xf32, #tpu.memory_space<vmem>>
    %dma_start3A_540 = arith.constant 0 : i32
    %dma_start3A_541 = tpu.memref_slice %arg2[%dma_start3A_540, %multiple_of3A_533] : memref<32x1000000xf32, #tpu.memory_space<hbm>> -> memref<32x128xf32, #tpu.memory_space<hbm>>
    %dma_start3A_542 = tpu.memref_slice %arg13[%dma_start3A_535] : memref<22x!tpu.dma_semaphore, #tpu.memory_space<semaphore_mem>> -> memref<1x!tpu.dma_semaphore, #tpu.memory_space<semaphore_mem>>
    %dma_start3A_543 = tpu.memref_squeeze %dma_start3A_542 : memref<1x!tpu.dma_semaphore, #tpu.memory_space<semaphore_mem>> -> memref<!tpu.dma_semaphore, #tpu.memory_space<semaphore_mem>>
    %dma_start3A_544 = arith.constant 0 : i32
    %dma_start3A_545 = arith.constant 0 : i32
    %dma_start3A_546 = tpu.memref_slice %arg10[%dma_start3A_534, %dma_start3A_544, %dma_start3A_545] : memref<22x32x128xf32, #tpu.memory_space<vmem>> -> memref<1x32x128xf32, #tpu.memory_space<vmem>>
    %dma_start3A_547 = tpu.memref_squeeze %dma_start3A_546 : memref<1x32x128xf32, #tpu.memory_space<vmem>> -> memref<32x128xf32, #tpu.memory_space<vmem>>
    %dma_start3A_548 = arith.constant 0 : i32
    %dma_start3A_549 = tpu.memref_slice %arg2[%dma_start3A_548, %multiple_of3A_533] : memref<32x1000000xf32, #tpu.memory_space<hbm>> -> memref<32x128xf32, #tpu.memory_space<hbm>>
    tpu.enqueue_dma source(%dma_start3A_549 : memref<32x128xf32, #tpu.memory_space<hbm>>) target(%dma_start3A_547 : memref<32x128xf32, #tpu.memory_space<vmem>>) target_semaphore(%dma_start3A_543 : memref<!tpu.dma_semaphore, #tpu.memory_space<semaphore_mem>>)
    %broadcast_in_dim3A_550 = arith.constant 0 : i32
    %broadcast_in_dim3A_551 = vector.broadcast %broadcast_in_dim3A_550 : i32 to vector<16xi32>
    %add3A_552 = arith.constant 5 : i32
    %add3A_553 = vector.broadcast %add3A_552 : i32 to vector<16xi32>
    %add3A_554 = arith.addi %broadcast_in_dim3A_551, %add3A_553 : vector<16xi32>
    %gather3A_555 = tpu.vector_load_idx %arg9[%add3A_554] : memref<512xi32, #tpu.memory_space<vmem>>[vector<16xi32>], vector<16xi32>,
    %slice3A_556 = vector.extract_strided_slice %gather3A_555 {offsets = [0], sizes = [1], strides = [1]} : vector<16xi32> to vector<1xi32>
    %squeeze3A_557 = vector.extract %slice3A_556[0] : i32 from vector<1xi32>
    %jit3A_558 = arith.constant 128 : i32
    %div3A_559 = arith.divsi %squeeze3A_557, %jit3A_558 : i32
    %sign3A_560 = arith.constant 0 : i32
    %sign3A_561 = arith.cmpi sgt, %squeeze3A_557, %sign3A_560 : i32
    %sign3A_562 = arith.extui %sign3A_561 : i1 to i32
    %sign3A_563 = arith.constant 0 : i32
    %sign3A_564 = arith.cmpi slt, %squeeze3A_557, %sign3A_563 : i32
    %sign3A_565 = arith.extui %sign3A_564 : i1 to i32
    %sign3A_566 = arith.subi %sign3A_562, %sign3A_565 : i32
    %sign3A_567 = arith.constant 0 : i32
    %sign3A_568 = arith.cmpi sgt, %jit3A_558, %sign3A_567 : i32
    %sign3A_569 = arith.extui %sign3A_568 : i1 to i32
    %sign3A_570 = arith.constant 0 : i32
    %sign3A_571 = arith.cmpi slt, %jit3A_558, %sign3A_570 : i32
    %sign3A_572 = arith.extui %sign3A_571 : i1 to i32
    %sign3A_573 = arith.subi %sign3A_569, %sign3A_572 : i32
    %ne3A_574 = arith.cmpi ne, %sign3A_566, %sign3A_573 : i32
    %rem3A_575 = arith.remsi %squeeze3A_557, %jit3A_558 : i32
    %ne3A_576 = arith.constant 0 : i32
    %ne3A_577 = arith.cmpi ne, %rem3A_575, %ne3A_576 : i32
    %and3A_578 = arith.andi %ne3A_574, %ne3A_577 : i1
    %sub3A_579 = arith.constant 1 : i32
    %sub3A_580 = arith.subi %div3A_559, %sub3A_579 : i32
    %select_n3A_581 = arith.select %and3A_578, %sub3A_580, %div3A_559 : i32
    %mul3A_582 = arith.constant 128 : i32
    %mul3A_583 = arith.muli %select_n3A_581, %mul3A_582 : i32
    %multiple_of3A_584 = tpu.assume_multiple %mul3A_583, 128 : i32
    %dma_start3A_585 = arith.constant 11 : i32
    %dma_start3A_586 = arith.constant 11 : i32
    %dma_start3A_587 = arith.constant 0 : i32
    %dma_start3A_588 = arith.constant 0 : i32
    %dma_start3A_589 = tpu.memref_slice %arg10[%dma_start3A_585, %dma_start3A_587, %dma_start3A_588] : memref<22x32x128xf32, #tpu.memory_space<vmem>> -> memref<1x32x128xf32, #tpu.memory_space<vmem>>
    %dma_start3A_590 = tpu.memref_squeeze %dma_start3A_589 : memref<1x32x128xf32, #tpu.memory_space<vmem>> -> memref<32x128xf32, #tpu.memory_space<vmem>>
    %dma_start3A_591 = arith.constant 0 : i32
    %dma_start3A_592 = tpu.memref_slice %arg3[%dma_start3A_591, %multiple_of3A_584] : memref<32x1000000xf32, #tpu.memory_space<hbm>> -> memref<32x128xf32, #tpu.memory_space<hbm>>
    %dma_start3A_593 = tpu.memref_slice %arg13[%dma_start3A_586] : memref<22x!tpu.dma_semaphore, #tpu.memory_space<semaphore_mem>> -> memref<1x!tpu.dma_semaphore, #tpu.memory_space<semaphore_mem>>
    %dma_start3A_594 = tpu.memref_squeeze %dma_start3A_593 : memref<1x!tpu.dma_semaphore, #tpu.memory_space<semaphore_mem>> -> memref<!tpu.dma_semaphore, #tpu.memory_space<semaphore_mem>>
    %dma_start3A_595 = arith.constant 0 : i32
    %dma_start3A_596 = arith.constant 0 : i32
    %dma_start3A_597 = tpu.memref_slice %arg10[%dma_start3A_585, %dma_start3A_595, %dma_start3A_596] : memref<22x32x128xf32, #tpu.memory_space<vmem>> -> memref<1x32x128xf32, #tpu.memory_space<vmem>>
    %dma_start3A_598 = tpu.memref_squeeze %dma_start3A_597 : memref<1x32x128xf32, #tpu.memory_space<vmem>> -> memref<32x128xf32, #tpu.memory_space<vmem>>
    %dma_start3A_599 = arith.constant 0 : i32
    %dma_start3A_600 = tpu.memref_slice %arg3[%dma_start3A_599, %multiple_of3A_584] : memref<32x1000000xf32, #tpu.memory_space<hbm>> -> memref<32x128xf32, #tpu.memory_space<hbm>>
    tpu.enqueue_dma source(%dma_start3A_600 : memref<32x128xf32, #tpu.memory_space<hbm>>) target(%dma_start3A_598 : memref<32x128xf32, #tpu.memory_space<vmem>>) target_semaphore(%dma_start3A_594 : memref<!tpu.dma_semaphore, #tpu.memory_space<semaphore_mem>>)
    %broadcast_in_dim3A_601 = arith.constant 0 : i32
    %broadcast_in_dim3A_602 = vector.broadcast %broadcast_in_dim3A_601 : i32 to vector<16xi32>
    %add3A_603 = arith.constant 6 : i32
    %add3A_604 = vector.broadcast %add3A_603 : i32 to vector<16xi32>
    %add3A_605 = arith.addi %broadcast_in_dim3A_602, %add3A_604 : vector<16xi32>
    %gather3A_606 = tpu.vector_load_idx %arg8[%add3A_605] : memref<512xi32, #tpu.memory_space<vmem>>[vector<16xi32>], vector<16xi32>,
    %slice3A_607 = vector.extract_strided_slice %gather3A_606 {offsets = [0], sizes = [1], strides = [1]} : vector<16xi32> to vector<1xi32>
    %squeeze3A_608 = vector.extract %slice3A_607[0] : i32 from vector<1xi32>
    %jit3A_609 = arith.constant 128 : i32
    %div3A_610 = arith.divsi %squeeze3A_608, %jit3A_609 : i32
    %sign3A_611 = arith.constant 0 : i32
    %sign3A_612 = arith.cmpi sgt, %squeeze3A_608, %sign3A_611 : i32
    %sign3A_613 = arith.extui %sign3A_612 : i1 to i32
    %sign3A_614 = arith.constant 0 : i32
    %sign3A_615 = arith.cmpi slt, %squeeze3A_608, %sign3A_614 : i32
    %sign3A_616 = arith.extui %sign3A_615 : i1 to i32
    %sign3A_617 = arith.subi %sign3A_613, %sign3A_616 : i32
    %sign3A_618 = arith.constant 0 : i32
    %sign3A_619 = arith.cmpi sgt, %jit3A_609, %sign3A_618 : i32
    %sign3A_620 = arith.extui %sign3A_619 : i1 to i32
    %sign3A_621 = arith.constant 0 : i32
    %sign3A_622 = arith.cmpi slt, %jit3A_609, %sign3A_621 : i32
    %sign3A_623 = arith.extui %sign3A_622 : i1 to i32
    %sign3A_624 = arith.subi %sign3A_620, %sign3A_623 : i32
    %ne3A_625 = arith.cmpi ne, %sign3A_617, %sign3A_624 : i32
    %rem3A_626 = arith.remsi %squeeze3A_608, %jit3A_609 : i32
    %ne3A_627 = arith.constant 0 : i32
    %ne3A_628 = arith.cmpi ne, %rem3A_626, %ne3A_627 : i32
    %and3A_629 = arith.andi %ne3A_625, %ne3A_628 : i1
    %sub3A_630 = arith.constant 1 : i32
    %sub3A_631 = arith.subi %div3A_610, %sub3A_630 : i32
    %select_n3A_632 = arith.select %and3A_629, %sub3A_631, %div3A_610 : i32
    %mul3A_633 = arith.constant 128 : i32
    %mul3A_634 = arith.muli %select_n3A_632, %mul3A_633 : i32
    %multiple_of3A_635 = tpu.assume_multiple %mul3A_634, 128 : i32
    %dma_start3A_636 = arith.constant 12 : i32
    %dma_start3A_637 = arith.constant 12 : i32
    %dma_start3A_638 = arith.constant 0 : i32
    %dma_start3A_639 = arith.constant 0 : i32
    %dma_start3A_640 = tpu.memref_slice %arg10[%dma_start3A_636, %dma_start3A_638, %dma_start3A_639] : memref<22x32x128xf32, #tpu.memory_space<vmem>> -> memref<1x32x128xf32, #tpu.memory_space<vmem>>
    %dma_start3A_641 = tpu.memref_squeeze %dma_start3A_640 : memref<1x32x128xf32, #tpu.memory_space<vmem>> -> memref<32x128xf32, #tpu.memory_space<vmem>>
    %dma_start3A_642 = arith.constant 0 : i32
    %dma_start3A_643 = tpu.memref_slice %arg2[%dma_start3A_642, %multiple_of3A_635] : memref<32x1000000xf32, #tpu.memory_space<hbm>> -> memref<32x128xf32, #tpu.memory_space<hbm>>
    %dma_start3A_644 = tpu.memref_slice %arg13[%dma_start3A_637] : memref<22x!tpu.dma_semaphore, #tpu.memory_space<semaphore_mem>> -> memref<1x!tpu.dma_semaphore, #tpu.memory_space<semaphore_mem>>
    %dma_start3A_645 = tpu.memref_squeeze %dma_start3A_644 : memref<1x!tpu.dma_semaphore, #tpu.memory_space<semaphore_mem>> -> memref<!tpu.dma_semaphore, #tpu.memory_space<semaphore_mem>>
    %dma_start3A_646 = arith.constant 0 : i32
    %dma_start3A_647 = arith.constant 0 : i32
    %dma_start3A_648 = tpu.memref_slice %arg10[%dma_start3A_636, %dma_start3A_646, %dma_start3A_647] : memref<22x32x128xf32, #tpu.memory_space<vmem>> -> memref<1x32x128xf32, #tpu.memory_space<vmem>>
    %dma_start3A_649 = tpu.memref_squeeze %dma_start3A_648 : memref<1x32x128xf32, #tpu.memory_space<vmem>> -> memref<32x128xf32, #tpu.memory_space<vmem>>
    %dma_start3A_650 = arith.constant 0 : i32
    %dma_start3A_651 = tpu.memref_slice %arg2[%dma_start3A_650, %multiple_of3A_635] : memref<32x1000000xf32, #tpu.memory_space<hbm>> -> memref<32x128xf32, #tpu.memory_space<hbm>>
    tpu.enqueue_dma source(%dma_start3A_651 : memref<32x128xf32, #tpu.memory_space<hbm>>) target(%dma_start3A_649 : memref<32x128xf32, #tpu.memory_space<vmem>>) target_semaphore(%dma_start3A_645 : memref<!tpu.dma_semaphore, #tpu.memory_space<semaphore_mem>>)
    %broadcast_in_dim3A_652 = arith.constant 0 : i32
    %broadcast_in_dim3A_653 = vector.broadcast %broadcast_in_dim3A_652 : i32 to vector<16xi32>
    %add3A_654 = arith.constant 6 : i32
    %add3A_655 = vector.broadcast %add3A_654 : i32 to vector<16xi32>
    %add3A_656 = arith.addi %broadcast_in_dim3A_653, %add3A_655 : vector<16xi32>
    %gather3A_657 = tpu.vector_load_idx %arg9[%add3A_656] : memref<512xi32, #tpu.memory_space<vmem>>[vector<16xi32>], vector<16xi32>,
    %slice3A_658 = vector.extract_strided_slice %gather3A_657 {offsets = [0], sizes = [1], strides = [1]} : vector<16xi32> to vector<1xi32>
    %squeeze3A_659 = vector.extract %slice3A_658[0] : i32 from vector<1xi32>
    %jit3A_660 = arith.constant 128 : i32
    %div3A_661 = arith.divsi %squeeze3A_659, %jit3A_660 : i32
    %sign3A_662 = arith.constant 0 : i32
    %sign3A_663 = arith.cmpi sgt, %squeeze3A_659, %sign3A_662 : i32
    %sign3A_664 = arith.extui %sign3A_663 : i1 to i32
    %sign3A_665 = arith.constant 0 : i32
    %sign3A_666 = arith.cmpi slt, %squeeze3A_659, %sign3A_665 : i32
    %sign3A_667 = arith.extui %sign3A_666 : i1 to i32
    %sign3A_668 = arith.subi %sign3A_664, %sign3A_667 : i32
    %sign3A_669 = arith.constant 0 : i32
    %sign3A_670 = arith.cmpi sgt, %jit3A_660, %sign3A_669 : i32
    %sign3A_671 = arith.extui %sign3A_670 : i1 to i32
    %sign3A_672 = arith.constant 0 : i32
    %sign3A_673 = arith.cmpi slt, %jit3A_660, %sign3A_672 : i32
    %sign3A_674 = arith.extui %sign3A_673 : i1 to i32
    %sign3A_675 = arith.subi %sign3A_671, %sign3A_674 : i32
    %ne3A_676 = arith.cmpi ne, %sign3A_668, %sign3A_675 : i32
    %rem3A_677 = arith.remsi %squeeze3A_659, %jit3A_660 : i32
    %ne3A_678 = arith.constant 0 : i32
    %ne3A_679 = arith.cmpi ne, %rem3A_677, %ne3A_678 : i32
    %and3A_680 = arith.andi %ne3A_676, %ne3A_679 : i1
    %sub3A_681 = arith.constant 1 : i32
    %sub3A_682 = arith.subi %div3A_661, %sub3A_681 : i32
    %select_n3A_683 = arith.select %and3A_680, %sub3A_682, %div3A_661 : i32
    %mul3A_684 = arith.constant 128 : i32
    %mul3A_685 = arith.muli %select_n3A_683, %mul3A_684 : i32
    %multiple_of3A_686 = tpu.assume_multiple %mul3A_685, 128 : i32
    %dma_start3A_687 = arith.constant 13 : i32
    %dma_start3A_688 = arith.constant 13 : i32
    %dma_start3A_689 = arith.constant 0 : i32
    %dma_start3A_690 = arith.constant 0 : i32
    %dma_start3A_691 = tpu.memref_slice %arg10[%dma_start3A_687, %dma_start3A_689, %dma_start3A_690] : memref<22x32x128xf32, #tpu.memory_space<vmem>> -> memref<1x32x128xf32, #tpu.memory_space<vmem>>
    %dma_start3A_692 = tpu.memref_squeeze %dma_start3A_691 : memref<1x32x128xf32, #tpu.memory_space<vmem>> -> memref<32x128xf32, #tpu.memory_space<vmem>>
    %dma_start3A_693 = arith.constant 0 : i32
    %dma_start3A_694 = tpu.memref_slice %arg3[%dma_start3A_693, %multiple_of3A_686] : memref<32x1000000xf32, #tpu.memory_space<hbm>> -> memref<32x128xf32, #tpu.memory_space<hbm>>
    %dma_start3A_695 = tpu.memref_slice %arg13[%dma_start3A_688] : memref<22x!tpu.dma_semaphore, #tpu.memory_space<semaphore_mem>> -> memref<1x!tpu.dma_semaphore, #tpu.memory_space<semaphore_mem>>
    %dma_start3A_696 = tpu.memref_squeeze %dma_start3A_695 : memref<1x!tpu.dma_semaphore, #tpu.memory_space<semaphore_mem>> -> memref<!tpu.dma_semaphore, #tpu.memory_space<semaphore_mem>>
    %dma_start3A_697 = arith.constant 0 : i32
    %dma_start3A_698 = arith.constant 0 : i32
    %dma_start3A_699 = tpu.memref_slice %arg10[%dma_start3A_687, %dma_start3A_697, %dma_start3A_698] : memref<22x32x128xf32, #tpu.memory_space<vmem>> -> memref<1x32x128xf32, #tpu.memory_space<vmem>>
    %dma_start3A_700 = tpu.memref_squeeze %dma_start3A_699 : memref<1x32x128xf32, #tpu.memory_space<vmem>> -> memref<32x128xf32, #tpu.memory_space<vmem>>
    %dma_start3A_701 = arith.constant 0 : i32
    %dma_start3A_702 = tpu.memref_slice %arg3[%dma_start3A_701, %multiple_of3A_686] : memref<32x1000000xf32, #tpu.memory_space<hbm>> -> memref<32x128xf32, #tpu.memory_space<hbm>>
    tpu.enqueue_dma source(%dma_start3A_702 : memref<32x128xf32, #tpu.memory_space<hbm>>) target(%dma_start3A_700 : memref<32x128xf32, #tpu.memory_space<vmem>>) target_semaphore(%dma_start3A_696 : memref<!tpu.dma_semaphore, #tpu.memory_space<semaphore_mem>>)
    %broadcast_in_dim3A_703 = arith.constant 0 : i32
    %broadcast_in_dim3A_704 = vector.broadcast %broadcast_in_dim3A_703 : i32 to vector<16xi32>
    %add3A_705 = arith.constant 7 : i32
    %add3A_706 = vector.broadcast %add3A_705 : i32 to vector<16xi32>
    %add3A_707 = arith.addi %broadcast_in_dim3A_704, %add3A_706 : vector<16xi32>
    %gather3A_708 = tpu.vector_load_idx %arg8[%add3A_707] : memref<512xi32, #tpu.memory_space<vmem>>[vector<16xi32>], vector<16xi32>,
    %slice3A_709 = vector.extract_strided_slice %gather3A_708 {offsets = [0], sizes = [1], strides = [1]} : vector<16xi32> to vector<1xi32>
    %squeeze3A_710 = vector.extract %slice3A_709[0] : i32 from vector<1xi32>
    %jit3A_711 = arith.constant 128 : i32
    %div3A_712 = arith.divsi %squeeze3A_710, %jit3A_711 : i32
    %sign3A_713 = arith.constant 0 : i32
    %sign3A_714 = arith.cmpi sgt, %squeeze3A_710, %sign3A_713 : i32
    %sign3A_715 = arith.extui %sign3A_714 : i1 to i32
    %sign3A_716 = arith.constant 0 : i32
    %sign3A_717 = arith.cmpi slt, %squeeze3A_710, %sign3A_716 : i32
    %sign3A_718 = arith.extui %sign3A_717 : i1 to i32
    %sign3A_719 = arith.subi %sign3A_715, %sign3A_718 : i32
    %sign3A_720 = arith.constant 0 : i32
    %sign3A_721 = arith.cmpi sgt, %jit3A_711, %sign3A_720 : i32
    %sign3A_722 = arith.extui %sign3A_721 : i1 to i32
    %sign3A_723 = arith.constant 0 : i32
    %sign3A_724 = arith.cmpi slt, %jit3A_711, %sign3A_723 : i32
    %sign3A_725 = arith.extui %sign3A_724 : i1 to i32
    %sign3A_726 = arith.subi %sign3A_722, %sign3A_725 : i32
    %ne3A_727 = arith.cmpi ne, %sign3A_719, %sign3A_726 : i32
    %rem3A_728 = arith.remsi %squeeze3A_710, %jit3A_711 : i32
    %ne3A_729 = arith.constant 0 : i32
    %ne3A_730 = arith.cmpi ne, %rem3A_728, %ne3A_729 : i32
    %and3A_731 = arith.andi %ne3A_727, %ne3A_730 : i1
    %sub3A_732 = arith.constant 1 : i32
    %sub3A_733 = arith.subi %div3A_712, %sub3A_732 : i32
    %select_n3A_734 = arith.select %and3A_731, %sub3A_733, %div3A_712 : i32
    %mul3A_735 = arith.constant 128 : i32
    %mul3A_736 = arith.muli %select_n3A_734, %mul3A_735 : i32
    %multiple_of3A_737 = tpu.assume_multiple %mul3A_736, 128 : i32
    %dma_start3A_738 = arith.constant 14 : i32
    %dma_start3A_739 = arith.constant 14 : i32
    %dma_start3A_740 = arith.constant 0 : i32
    %dma_start3A_741 = arith.constant 0 : i32
    %dma_start3A_742 = tpu.memref_slice %arg10[%dma_start3A_738, %dma_start3A_740, %dma_start3A_741] : memref<22x32x128xf32, #tpu.memory_space<vmem>> -> memref<1x32x128xf32, #tpu.memory_space<vmem>>
    %dma_start3A_743 = tpu.memref_squeeze %dma_start3A_742 : memref<1x32x128xf32, #tpu.memory_space<vmem>> -> memref<32x128xf32, #tpu.memory_space<vmem>>
    %dma_start3A_744 = arith.constant 0 : i32
    %dma_start3A_745 = tpu.memref_slice %arg2[%dma_start3A_744, %multiple_of3A_737] : memref<32x1000000xf32, #tpu.memory_space<hbm>> -> memref<32x128xf32, #tpu.memory_space<hbm>>
    %dma_start3A_746 = tpu.memref_slice %arg13[%dma_start3A_739] : memref<22x!tpu.dma_semaphore, #tpu.memory_space<semaphore_mem>> -> memref<1x!tpu.dma_semaphore, #tpu.memory_space<semaphore_mem>>
    %dma_start3A_747 = tpu.memref_squeeze %dma_start3A_746 : memref<1x!tpu.dma_semaphore, #tpu.memory_space<semaphore_mem>> -> memref<!tpu.dma_semaphore, #tpu.memory_space<semaphore_mem>>
    %dma_start3A_748 = arith.constant 0 : i32
    %dma_start3A_749 = arith.constant 0 : i32
    %dma_start3A_750 = tpu.memref_slice %arg10[%dma_start3A_738, %dma_start3A_748, %dma_start3A_749] : memref<22x32x128xf32, #tpu.memory_space<vmem>> -> memref<1x32x128xf32, #tpu.memory_space<vmem>>
    %dma_start3A_751 = tpu.memref_squeeze %dma_start3A_750 : memref<1x32x128xf32, #tpu.memory_space<vmem>> -> memref<32x128xf32, #tpu.memory_space<vmem>>
    %dma_start3A_752 = arith.constant 0 : i32
    %dma_start3A_753 = tpu.memref_slice %arg2[%dma_start3A_752, %multiple_of3A_737] : memref<32x1000000xf32, #tpu.memory_space<hbm>> -> memref<32x128xf32, #tpu.memory_space<hbm>>
    tpu.enqueue_dma source(%dma_start3A_753 : memref<32x128xf32, #tpu.memory_space<hbm>>) target(%dma_start3A_751 : memref<32x128xf32, #tpu.memory_space<vmem>>) target_semaphore(%dma_start3A_747 : memref<!tpu.dma_semaphore, #tpu.memory_space<semaphore_mem>>)
    %broadcast_in_dim3A_754 = arith.constant 0 : i32
    %broadcast_in_dim3A_755 = vector.broadcast %broadcast_in_dim3A_754 : i32 to vector<16xi32>
    %add3A_756 = arith.constant 7 : i32
    %add3A_757 = vector.broadcast %add3A_756 : i32 to vector<16xi32>
    %add3A_758 = arith.addi %broadcast_in_dim3A_755, %add3A_757 : vector<16xi32>
    %gather3A_759 = tpu.vector_load_idx %arg9[%add3A_758] : memref<512xi32, #tpu.memory_space<vmem>>[vector<16xi32>], vector<16xi32>,
    %slice3A_760 = vector.extract_strided_slice %gather3A_759 {offsets = [0], sizes = [1], strides = [1]} : vector<16xi32> to vector<1xi32>
    %squeeze3A_761 = vector.extract %slice3A_760[0] : i32 from vector<1xi32>
    %jit3A_762 = arith.constant 128 : i32
    %div3A_763 = arith.divsi %squeeze3A_761, %jit3A_762 : i32
    %sign3A_764 = arith.constant 0 : i32
    %sign3A_765 = arith.cmpi sgt, %squeeze3A_761, %sign3A_764 : i32
    %sign3A_766 = arith.extui %sign3A_765 : i1 to i32
    %sign3A_767 = arith.constant 0 : i32
    %sign3A_768 = arith.cmpi slt, %squeeze3A_761, %sign3A_767 : i32
    %sign3A_769 = arith.extui %sign3A_768 : i1 to i32
    %sign3A_770 = arith.subi %sign3A_766, %sign3A_769 : i32
    %sign3A_771 = arith.constant 0 : i32
    %sign3A_772 = arith.cmpi sgt, %jit3A_762, %sign3A_771 : i32
    %sign3A_773 = arith.extui %sign3A_772 : i1 to i32
    %sign3A_774 = arith.constant 0 : i32
    %sign3A_775 = arith.cmpi slt, %jit3A_762, %sign3A_774 : i32
    %sign3A_776 = arith.extui %sign3A_775 : i1 to i32
    %sign3A_777 = arith.subi %sign3A_773, %sign3A_776 : i32
    %ne3A_778 = arith.cmpi ne, %sign3A_770, %sign3A_777 : i32
    %rem3A_779 = arith.remsi %squeeze3A_761, %jit3A_762 : i32
    %ne3A_780 = arith.constant 0 : i32
    %ne3A_781 = arith.cmpi ne, %rem3A_779, %ne3A_780 : i32
    %and3A_782 = arith.andi %ne3A_778, %ne3A_781 : i1
    %sub3A_783 = arith.constant 1 : i32
    %sub3A_784 = arith.subi %div3A_763, %sub3A_783 : i32
    %select_n3A_785 = arith.select %and3A_782, %sub3A_784, %div3A_763 : i32
    %mul3A_786 = arith.constant 128 : i32
    %mul3A_787 = arith.muli %select_n3A_785, %mul3A_786 : i32
    %multiple_of3A_788 = tpu.assume_multiple %mul3A_787, 128 : i32
    %dma_start3A_789 = arith.constant 15 : i32
    %dma_start3A_790 = arith.constant 15 : i32
    %dma_start3A_791 = arith.constant 0 : i32
    %dma_start3A_792 = arith.constant 0 : i32
    %dma_start3A_793 = tpu.memref_slice %arg10[%dma_start3A_789, %dma_start3A_791, %dma_start3A_792] : memref<22x32x128xf32, #tpu.memory_space<vmem>> -> memref<1x32x128xf32, #tpu.memory_space<vmem>>
    %dma_start3A_794 = tpu.memref_squeeze %dma_start3A_793 : memref<1x32x128xf32, #tpu.memory_space<vmem>> -> memref<32x128xf32, #tpu.memory_space<vmem>>
    %dma_start3A_795 = arith.constant 0 : i32
    %dma_start3A_796 = tpu.memref_slice %arg3[%dma_start3A_795, %multiple_of3A_788] : memref<32x1000000xf32, #tpu.memory_space<hbm>> -> memref<32x128xf32, #tpu.memory_space<hbm>>
    %dma_start3A_797 = tpu.memref_slice %arg13[%dma_start3A_790] : memref<22x!tpu.dma_semaphore, #tpu.memory_space<semaphore_mem>> -> memref<1x!tpu.dma_semaphore, #tpu.memory_space<semaphore_mem>>
    %dma_start3A_798 = tpu.memref_squeeze %dma_start3A_797 : memref<1x!tpu.dma_semaphore, #tpu.memory_space<semaphore_mem>> -> memref<!tpu.dma_semaphore, #tpu.memory_space<semaphore_mem>>
    %dma_start3A_799 = arith.constant 0 : i32
    %dma_start3A_800 = arith.constant 0 : i32
    %dma_start3A_801 = tpu.memref_slice %arg10[%dma_start3A_789, %dma_start3A_799, %dma_start3A_800] : memref<22x32x128xf32, #tpu.memory_space<vmem>> -> memref<1x32x128xf32, #tpu.memory_space<vmem>>
    %dma_start3A_802 = tpu.memref_squeeze %dma_start3A_801 : memref<1x32x128xf32, #tpu.memory_space<vmem>> -> memref<32x128xf32, #tpu.memory_space<vmem>>
    %dma_start3A_803 = arith.constant 0 : i32
    %dma_start3A_804 = tpu.memref_slice %arg3[%dma_start3A_803, %multiple_of3A_788] : memref<32x1000000xf32, #tpu.memory_space<hbm>> -> memref<32x128xf32, #tpu.memory_space<hbm>>
    tpu.enqueue_dma source(%dma_start3A_804 : memref<32x128xf32, #tpu.memory_space<hbm>>) target(%dma_start3A_802 : memref<32x128xf32, #tpu.memory_space<vmem>>) target_semaphore(%dma_start3A_798 : memref<!tpu.dma_semaphore, #tpu.memory_space<semaphore_mem>>)
    %broadcast_in_dim3A_805 = arith.constant 0 : i32
    %broadcast_in_dim3A_806 = vector.broadcast %broadcast_in_dim3A_805 : i32 to vector<16xi32>
    %add3A_807 = arith.constant 8 : i32
    %add3A_808 = vector.broadcast %add3A_807 : i32 to vector<16xi32>
    %add3A_809 = arith.addi %broadcast_in_dim3A_806, %add3A_808 : vector<16xi32>
    %gather3A_810 = tpu.vector_load_idx %arg8[%add3A_809] : memref<512xi32, #tpu.memory_space<vmem>>[vector<16xi32>], vector<16xi32>,
    %slice3A_811 = vector.extract_strided_slice %gather3A_810 {offsets = [0], sizes = [1], strides = [1]} : vector<16xi32> to vector<1xi32>
    %squeeze3A_812 = vector.extract %slice3A_811[0] : i32 from vector<1xi32>
    %jit3A_813 = arith.constant 128 : i32
    %div3A_814 = arith.divsi %squeeze3A_812, %jit3A_813 : i32
    %sign3A_815 = arith.constant 0 : i32
    %sign3A_816 = arith.cmpi sgt, %squeeze3A_812, %sign3A_815 : i32
    %sign3A_817 = arith.extui %sign3A_816 : i1 to i32
    %sign3A_818 = arith.constant 0 : i32
    %sign3A_819 = arith.cmpi slt, %squeeze3A_812, %sign3A_818 : i32
    %sign3A_820 = arith.extui %sign3A_819 : i1 to i32
    %sign3A_821 = arith.subi %sign3A_817, %sign3A_820 : i32
    %sign3A_822 = arith.constant 0 : i32
    %sign3A_823 = arith.cmpi sgt, %jit3A_813, %sign3A_822 : i32
    %sign3A_824 = arith.extui %sign3A_823 : i1 to i32
    %sign3A_825 = arith.constant 0 : i32
    %sign3A_826 = arith.cmpi slt, %jit3A_813, %sign3A_825 : i32
    %sign3A_827 = arith.extui %sign3A_826 : i1 to i32
    %sign3A_828 = arith.subi %sign3A_824, %sign3A_827 : i32
    %ne3A_829 = arith.cmpi ne, %sign3A_821, %sign3A_828 : i32
    %rem3A_830 = arith.remsi %squeeze3A_812, %jit3A_813 : i32
    %ne3A_831 = arith.constant 0 : i32
    %ne3A_832 = arith.cmpi ne, %rem3A_830, %ne3A_831 : i32
    %and3A_833 = arith.andi %ne3A_829, %ne3A_832 : i1
    %sub3A_834 = arith.constant 1 : i32
    %sub3A_835 = arith.subi %div3A_814, %sub3A_834 : i32
    %select_n3A_836 = arith.select %and3A_833, %sub3A_835, %div3A_814 : i32
    %mul3A_837 = arith.constant 128 : i32
    %mul3A_838 = arith.muli %select_n3A_836, %mul3A_837 : i32
    %multiple_of3A_839 = tpu.assume_multiple %mul3A_838, 128 : i32
    %dma_start3A_840 = arith.constant 16 : i32
    %dma_start3A_841 = arith.constant 16 : i32
    %dma_start3A_842 = arith.constant 0 : i32
    %dma_start3A_843 = arith.constant 0 : i32
    %dma_start3A_844 = tpu.memref_slice %arg10[%dma_start3A_840, %dma_start3A_842, %dma_start3A_843] : memref<22x32x128xf32, #tpu.memory_space<vmem>> -> memref<1x32x128xf32, #tpu.memory_space<vmem>>
    %dma_start3A_845 = tpu.memref_squeeze %dma_start3A_844 : memref<1x32x128xf32, #tpu.memory_space<vmem>> -> memref<32x128xf32, #tpu.memory_space<vmem>>
    %dma_start3A_846 = arith.constant 0 : i32
    %dma_start3A_847 = tpu.memref_slice %arg2[%dma_start3A_846, %multiple_of3A_839] : memref<32x1000000xf32, #tpu.memory_space<hbm>> -> memref<32x128xf32, #tpu.memory_space<hbm>>
    %dma_start3A_848 = tpu.memref_slice %arg13[%dma_start3A_841] : memref<22x!tpu.dma_semaphore, #tpu.memory_space<semaphore_mem>> -> memref<1x!tpu.dma_semaphore, #tpu.memory_space<semaphore_mem>>
    %dma_start3A_849 = tpu.memref_squeeze %dma_start3A_848 : memref<1x!tpu.dma_semaphore, #tpu.memory_space<semaphore_mem>> -> memref<!tpu.dma_semaphore, #tpu.memory_space<semaphore_mem>>
    %dma_start3A_850 = arith.constant 0 : i32
    %dma_start3A_851 = arith.constant 0 : i32
    %dma_start3A_852 = tpu.memref_slice %arg10[%dma_start3A_840, %dma_start3A_850, %dma_start3A_851] : memref<22x32x128xf32, #tpu.memory_space<vmem>> -> memref<1x32x128xf32, #tpu.memory_space<vmem>>
    %dma_start3A_853 = tpu.memref_squeeze %dma_start3A_852 : memref<1x32x128xf32, #tpu.memory_space<vmem>> -> memref<32x128xf32, #tpu.memory_space<vmem>>
    %dma_start3A_854 = arith.constant 0 : i32
    %dma_start3A_855 = tpu.memref_slice %arg2[%dma_start3A_854, %multiple_of3A_839] : memref<32x1000000xf32, #tpu.memory_space<hbm>> -> memref<32x128xf32, #tpu.memory_space<hbm>>
    tpu.enqueue_dma source(%dma_start3A_855 : memref<32x128xf32, #tpu.memory_space<hbm>>) target(%dma_start3A_853 : memref<32x128xf32, #tpu.memory_space<vmem>>) target_semaphore(%dma_start3A_849 : memref<!tpu.dma_semaphore, #tpu.memory_space<semaphore_mem>>)
    %broadcast_in_dim3A_856 = arith.constant 0 : i32
    %broadcast_in_dim3A_857 = vector.broadcast %broadcast_in_dim3A_856 : i32 to vector<16xi32>
    %add3A_858 = arith.constant 8 : i32
    %add3A_859 = vector.broadcast %add3A_858 : i32 to vector<16xi32>
    %add3A_860 = arith.addi %broadcast_in_dim3A_857, %add3A_859 : vector<16xi32>
    %gather3A_861 = tpu.vector_load_idx %arg9[%add3A_860] : memref<512xi32, #tpu.memory_space<vmem>>[vector<16xi32>], vector<16xi32>,
    %slice3A_862 = vector.extract_strided_slice %gather3A_861 {offsets = [0], sizes = [1], strides = [1]} : vector<16xi32> to vector<1xi32>
    %squeeze3A_863 = vector.extract %slice3A_862[0] : i32 from vector<1xi32>
    %jit3A_864 = arith.constant 128 : i32
    %div3A_865 = arith.divsi %squeeze3A_863, %jit3A_864 : i32
    %sign3A_866 = arith.constant 0 : i32
    %sign3A_867 = arith.cmpi sgt, %squeeze3A_863, %sign3A_866 : i32
    %sign3A_868 = arith.extui %sign3A_867 : i1 to i32
    %sign3A_869 = arith.constant 0 : i32
    %sign3A_870 = arith.cmpi slt, %squeeze3A_863, %sign3A_869 : i32
    %sign3A_871 = arith.extui %sign3A_870 : i1 to i32
    %sign3A_872 = arith.subi %sign3A_868, %sign3A_871 : i32
    %sign3A_873 = arith.constant 0 : i32
    %sign3A_874 = arith.cmpi sgt, %jit3A_864, %sign3A_873 : i32
    %sign3A_875 = arith.extui %sign3A_874 : i1 to i32
    %sign3A_876 = arith.constant 0 : i32
    %sign3A_877 = arith.cmpi slt, %jit3A_864, %sign3A_876 : i32
    %sign3A_878 = arith.extui %sign3A_877 : i1 to i32
    %sign3A_879 = arith.subi %sign3A_875, %sign3A_878 : i32
    %ne3A_880 = arith.cmpi ne, %sign3A_872, %sign3A_879 : i32
    %rem3A_881 = arith.remsi %squeeze3A_863, %jit3A_864 : i32
    %ne3A_882 = arith.constant 0 : i32
    %ne3A_883 = arith.cmpi ne, %rem3A_881, %ne3A_882 : i32
    %and3A_884 = arith.andi %ne3A_880, %ne3A_883 : i1
    %sub3A_885 = arith.constant 1 : i32
    %sub3A_886 = arith.subi %div3A_865, %sub3A_885 : i32
    %select_n3A_887 = arith.select %and3A_884, %sub3A_886, %div3A_865 : i32
    %mul3A_888 = arith.constant 128 : i32
    %mul3A_889 = arith.muli %select_n3A_887, %mul3A_888 : i32
    %multiple_of3A_890 = tpu.assume_multiple %mul3A_889, 128 : i32
    %dma_start3A_891 = arith.constant 17 : i32
    %dma_start3A_892 = arith.constant 17 : i32
    %dma_start3A_893 = arith.constant 0 : i32
    %dma_start3A_894 = arith.constant 0 : i32
    %dma_start3A_895 = tpu.memref_slice %arg10[%dma_start3A_891, %dma_start3A_893, %dma_start3A_894] : memref<22x32x128xf32, #tpu.memory_space<vmem>> -> memref<1x32x128xf32, #tpu.memory_space<vmem>>
    %dma_start3A_896 = tpu.memref_squeeze %dma_start3A_895 : memref<1x32x128xf32, #tpu.memory_space<vmem>> -> memref<32x128xf32, #tpu.memory_space<vmem>>
    %dma_start3A_897 = arith.constant 0 : i32
    %dma_start3A_898 = tpu.memref_slice %arg3[%dma_start3A_897, %multiple_of3A_890] : memref<32x1000000xf32, #tpu.memory_space<hbm>> -> memref<32x128xf32, #tpu.memory_space<hbm>>
    %dma_start3A_899 = tpu.memref_slice %arg13[%dma_start3A_892] : memref<22x!tpu.dma_semaphore, #tpu.memory_space<semaphore_mem>> -> memref<1x!tpu.dma_semaphore, #tpu.memory_space<semaphore_mem>>
    %dma_start3A_900 = tpu.memref_squeeze %dma_start3A_899 : memref<1x!tpu.dma_semaphore, #tpu.memory_space<semaphore_mem>> -> memref<!tpu.dma_semaphore, #tpu.memory_space<semaphore_mem>>
    %dma_start3A_901 = arith.constant 0 : i32
    %dma_start3A_902 = arith.constant 0 : i32
    %dma_start3A_903 = tpu.memref_slice %arg10[%dma_start3A_891, %dma_start3A_901, %dma_start3A_902] : memref<22x32x128xf32, #tpu.memory_space<vmem>> -> memref<1x32x128xf32, #tpu.memory_space<vmem>>
    %dma_start3A_904 = tpu.memref_squeeze %dma_start3A_903 : memref<1x32x128xf32, #tpu.memory_space<vmem>> -> memref<32x128xf32, #tpu.memory_space<vmem>>
    %dma_start3A_905 = arith.constant 0 : i32
    %dma_start3A_906 = tpu.memref_slice %arg3[%dma_start3A_905, %multiple_of3A_890] : memref<32x1000000xf32, #tpu.memory_space<hbm>> -> memref<32x128xf32, #tpu.memory_space<hbm>>
    tpu.enqueue_dma source(%dma_start3A_906 : memref<32x128xf32, #tpu.memory_space<hbm>>) target(%dma_start3A_904 : memref<32x128xf32, #tpu.memory_space<vmem>>) target_semaphore(%dma_start3A_900 : memref<!tpu.dma_semaphore, #tpu.memory_space<semaphore_mem>>)
    %broadcast_in_dim3A_907 = arith.constant 0 : i32
    %broadcast_in_dim3A_908 = vector.broadcast %broadcast_in_dim3A_907 : i32 to vector<16xi32>
    %add3A_909 = arith.constant 9 : i32
    %add3A_910 = vector.broadcast %add3A_909 : i32 to vector<16xi32>
    %add3A_911 = arith.addi %broadcast_in_dim3A_908, %add3A_910 : vector<16xi32>
    %gather3A_912 = tpu.vector_load_idx %arg8[%add3A_911] : memref<512xi32, #tpu.memory_space<vmem>>[vector<16xi32>], vector<16xi32>,
    %slice3A_913 = vector.extract_strided_slice %gather3A_912 {offsets = [0], sizes = [1], strides = [1]} : vector<16xi32> to vector<1xi32>
    %squeeze3A_914 = vector.extract %slice3A_913[0] : i32 from vector<1xi32>
    %jit3A_915 = arith.constant 128 : i32
    %div3A_916 = arith.divsi %squeeze3A_914, %jit3A_915 : i32
    %sign3A_917 = arith.constant 0 : i32
    %sign3A_918 = arith.cmpi sgt, %squeeze3A_914, %sign3A_917 : i32
    %sign3A_919 = arith.extui %sign3A_918 : i1 to i32
    %sign3A_920 = arith.constant 0 : i32
    %sign3A_921 = arith.cmpi slt, %squeeze3A_914, %sign3A_920 : i32
    %sign3A_922 = arith.extui %sign3A_921 : i1 to i32
    %sign3A_923 = arith.subi %sign3A_919, %sign3A_922 : i32
    %sign3A_924 = arith.constant 0 : i32
    %sign3A_925 = arith.cmpi sgt, %jit3A_915, %sign3A_924 : i32
    %sign3A_926 = arith.extui %sign3A_925 : i1 to i32
    %sign3A_927 = arith.constant 0 : i32
    %sign3A_928 = arith.cmpi slt, %jit3A_915, %sign3A_927 : i32
    %sign3A_929 = arith.extui %sign3A_928 : i1 to i32
    %sign3A_930 = arith.subi %sign3A_926, %sign3A_929 : i32
    %ne3A_931 = arith.cmpi ne, %sign3A_923, %sign3A_930 : i32
    %rem3A_932 = arith.remsi %squeeze3A_914, %jit3A_915 : i32
    %ne3A_933 = arith.constant 0 : i32
    %ne3A_934 = arith.cmpi ne, %rem3A_932, %ne3A_933 : i32
    %and3A_935 = arith.andi %ne3A_931, %ne3A_934 : i1
    %sub3A_936 = arith.constant 1 : i32
    %sub3A_937 = arith.subi %div3A_916, %sub3A_936 : i32
    %select_n3A_938 = arith.select %and3A_935, %sub3A_937, %div3A_916 : i32
    %mul3A_939 = arith.constant 128 : i32
    %mul3A_940 = arith.muli %select_n3A_938, %mul3A_939 : i32
    %multiple_of3A_941 = tpu.assume_multiple %mul3A_940, 128 : i32
    %dma_start3A_942 = arith.constant 18 : i32
    %dma_start3A_943 = arith.constant 18 : i32
    %dma_start3A_944 = arith.constant 0 : i32
    %dma_start3A_945 = arith.constant 0 : i32
    %dma_start3A_946 = tpu.memref_slice %arg10[%dma_start3A_942, %dma_start3A_944, %dma_start3A_945] : memref<22x32x128xf32, #tpu.memory_space<vmem>> -> memref<1x32x128xf32, #tpu.memory_space<vmem>>
    %dma_start3A_947 = tpu.memref_squeeze %dma_start3A_946 : memref<1x32x128xf32, #tpu.memory_space<vmem>> -> memref<32x128xf32, #tpu.memory_space<vmem>>
    %dma_start3A_948 = arith.constant 0 : i32
    %dma_start3A_949 = tpu.memref_slice %arg2[%dma_start3A_948, %multiple_of3A_941] : memref<32x1000000xf32, #tpu.memory_space<hbm>> -> memref<32x128xf32, #tpu.memory_space<hbm>>
    %dma_start3A_950 = tpu.memref_slice %arg13[%dma_start3A_943] : memref<22x!tpu.dma_semaphore, #tpu.memory_space<semaphore_mem>> -> memref<1x!tpu.dma_semaphore, #tpu.memory_space<semaphore_mem>>
    %dma_start3A_951 = tpu.memref_squeeze %dma_start3A_950 : memref<1x!tpu.dma_semaphore, #tpu.memory_space<semaphore_mem>> -> memref<!tpu.dma_semaphore, #tpu.memory_space<semaphore_mem>>
    %dma_start3A_952 = arith.constant 0 : i32
    %dma_start3A_953 = arith.constant 0 : i32
    %dma_start3A_954 = tpu.memref_slice %arg10[%dma_start3A_942, %dma_start3A_952, %dma_start3A_953] : memref<22x32x128xf32, #tpu.memory_space<vmem>> -> memref<1x32x128xf32, #tpu.memory_space<vmem>>
    %dma_start3A_955 = tpu.memref_squeeze %dma_start3A_954 : memref<1x32x128xf32, #tpu.memory_space<vmem>> -> memref<32x128xf32, #tpu.memory_space<vmem>>
    %dma_start3A_956 = arith.constant 0 : i32
    %dma_start3A_957 = tpu.memref_slice %arg2[%dma_start3A_956, %multiple_of3A_941] : memref<32x1000000xf32, #tpu.memory_space<hbm>> -> memref<32x128xf32, #tpu.memory_space<hbm>>
    tpu.enqueue_dma source(%dma_start3A_957 : memref<32x128xf32, #tpu.memory_space<hbm>>) target(%dma_start3A_955 : memref<32x128xf32, #tpu.memory_space<vmem>>) target_semaphore(%dma_start3A_951 : memref<!tpu.dma_semaphore, #tpu.memory_space<semaphore_mem>>)
    %broadcast_in_dim3A_958 = arith.constant 0 : i32
    %broadcast_in_dim3A_959 = vector.broadcast %broadcast_in_dim3A_958 : i32 to vector<16xi32>
    %add3A_960 = arith.constant 9 : i32
    %add3A_961 = vector.broadcast %add3A_960 : i32 to vector<16xi32>
    %add3A_962 = arith.addi %broadcast_in_dim3A_959, %add3A_961 : vector<16xi32>
    %gather3A_963 = tpu.vector_load_idx %arg9[%add3A_962] : memref<512xi32, #tpu.memory_space<vmem>>[vector<16xi32>], vector<16xi32>,
    %slice3A_964 = vector.extract_strided_slice %gather3A_963 {offsets = [0], sizes = [1], strides = [1]} : vector<16xi32> to vector<1xi32>
    %squeeze3A_965 = vector.extract %slice3A_964[0] : i32 from vector<1xi32>
    %jit3A_966 = arith.constant 128 : i32
    %div3A_967 = arith.divsi %squeeze3A_965, %jit3A_966 : i32
    %sign3A_968 = arith.constant 0 : i32
    %sign3A_969 = arith.cmpi sgt, %squeeze3A_965, %sign3A_968 : i32
    %sign3A_970 = arith.extui %sign3A_969 : i1 to i32
    %sign3A_971 = arith.constant 0 : i32
    %sign3A_972 = arith.cmpi slt, %squeeze3A_965, %sign3A_971 : i32
    %sign3A_973 = arith.extui %sign3A_972 : i1 to i32
    %sign3A_974 = arith.subi %sign3A_970, %sign3A_973 : i32
    %sign3A_975 = arith.constant 0 : i32
    %sign3A_976 = arith.cmpi sgt, %jit3A_966, %sign3A_975 : i32
    %sign3A_977 = arith.extui %sign3A_976 : i1 to i32
    %sign3A_978 = arith.constant 0 : i32
    %sign3A_979 = arith.cmpi slt, %jit3A_966, %sign3A_978 : i32
    %sign3A_980 = arith.extui %sign3A_979 : i1 to i32
    %sign3A_981 = arith.subi %sign3A_977, %sign3A_980 : i32
    %ne3A_982 = arith.cmpi ne, %sign3A_974, %sign3A_981 : i32
    %rem3A_983 = arith.remsi %squeeze3A_965, %jit3A_966 : i32
    %ne3A_984 = arith.constant 0 : i32
    %ne3A_985 = arith.cmpi ne, %rem3A_983, %ne3A_984 : i32
    %and3A_986 = arith.andi %ne3A_982, %ne3A_985 : i1
    %sub3A_987 = arith.constant 1 : i32
    %sub3A_988 = arith.subi %div3A_967, %sub3A_987 : i32
    %select_n3A_989 = arith.select %and3A_986, %sub3A_988, %div3A_967 : i32
    %mul3A_990 = arith.constant 128 : i32
    %mul3A_991 = arith.muli %select_n3A_989, %mul3A_990 : i32
    %multiple_of3A_992 = tpu.assume_multiple %mul3A_991, 128 : i32
    %dma_start3A_993 = arith.constant 19 : i32
    %dma_start3A_994 = arith.constant 19 : i32
    %dma_start3A_995 = arith.constant 0 : i32
    %dma_start3A_996 = arith.constant 0 : i32
    %dma_start3A_997 = tpu.memref_slice %arg10[%dma_start3A_993, %dma_start3A_995, %dma_start3A_996] : memref<22x32x128xf32, #tpu.memory_space<vmem>> -> memref<1x32x128xf32, #tpu.memory_space<vmem>>
    %dma_start3A_998 = tpu.memref_squeeze %dma_start3A_997 : memref<1x32x128xf32, #tpu.memory_space<vmem>> -> memref<32x128xf32, #tpu.memory_space<vmem>>
    %dma_start3A_999 = arith.constant 0 : i32
    %dma_start3A_1000 = tpu.memref_slice %arg3[%dma_start3A_999, %multiple_of3A_992] : memref<32x1000000xf32, #tpu.memory_space<hbm>> -> memref<32x128xf32, #tpu.memory_space<hbm>>
    %dma_start3A_1001 = tpu.memref_slice %arg13[%dma_start3A_994] : memref<22x!tpu.dma_semaphore, #tpu.memory_space<semaphore_mem>> -> memref<1x!tpu.dma_semaphore, #tpu.memory_space<semaphore_mem>>
    %dma_start3A_1002 = tpu.memref_squeeze %dma_start3A_1001 : memref<1x!tpu.dma_semaphore, #tpu.memory_space<semaphore_mem>> -> memref<!tpu.dma_semaphore, #tpu.memory_space<semaphore_mem>>
    %dma_start3A_1003 = arith.constant 0 : i32
    %dma_start3A_1004 = arith.constant 0 : i32
    %dma_start3A_1005 = tpu.memref_slice %arg10[%dma_start3A_993, %dma_start3A_1003, %dma_start3A_1004] : memref<22x32x128xf32, #tpu.memory_space<vmem>> -> memref<1x32x128xf32, #tpu.memory_space<vmem>>
    %dma_start3A_1006 = tpu.memref_squeeze %dma_start3A_1005 : memref<1x32x128xf32, #tpu.memory_space<vmem>> -> memref<32x128xf32, #tpu.memory_space<vmem>>
    %dma_start3A_1007 = arith.constant 0 : i32
    %dma_start3A_1008 = tpu.memref_slice %arg3[%dma_start3A_1007, %multiple_of3A_992] : memref<32x1000000xf32, #tpu.memory_space<hbm>> -> memref<32x128xf32, #tpu.memory_space<hbm>>
    tpu.enqueue_dma source(%dma_start3A_1008 : memref<32x128xf32, #tpu.memory_space<hbm>>) target(%dma_start3A_1006 : memref<32x128xf32, #tpu.memory_space<vmem>>) target_semaphore(%dma_start3A_1002 : memref<!tpu.dma_semaphore, #tpu.memory_space<semaphore_mem>>)
    %broadcast_in_dim3A_1009 = arith.constant 0 : i32
    %broadcast_in_dim3A_1010 = vector.broadcast %broadcast_in_dim3A_1009 : i32 to vector<16xi32>
    %add3A_1011 = arith.constant 10 : i32
    %add3A_1012 = vector.broadcast %add3A_1011 : i32 to vector<16xi32>
    %add3A_1013 = arith.addi %broadcast_in_dim3A_1010, %add3A_1012 : vector<16xi32>
    %gather3A_1014 = tpu.vector_load_idx %arg8[%add3A_1013] : memref<512xi32, #tpu.memory_space<vmem>>[vector<16xi32>], vector<16xi32>,
    %slice3A_1015 = vector.extract_strided_slice %gather3A_1014 {offsets = [0], sizes = [1], strides = [1]} : vector<16xi32> to vector<1xi32>
    %squeeze3A_1016 = vector.extract %slice3A_1015[0] : i32 from vector<1xi32>
    %jit3A_1017 = arith.constant 128 : i32
    %div3A_1018 = arith.divsi %squeeze3A_1016, %jit3A_1017 : i32
    %sign3A_1019 = arith.constant 0 : i32
    %sign3A_1020 = arith.cmpi sgt, %squeeze3A_1016, %sign3A_1019 : i32
    %sign3A_1021 = arith.extui %sign3A_1020 : i1 to i32
    %sign3A_1022 = arith.constant 0 : i32
    %sign3A_1023 = arith.cmpi slt, %squeeze3A_1016, %sign3A_1022 : i32
    %sign3A_1024 = arith.extui %sign3A_1023 : i1 to i32
    %sign3A_1025 = arith.subi %sign3A_1021, %sign3A_1024 : i32
    %sign3A_1026 = arith.constant 0 : i32
    %sign3A_1027 = arith.cmpi sgt, %jit3A_1017, %sign3A_1026 : i32
    %sign3A_1028 = arith.extui %sign3A_1027 : i1 to i32
    %sign3A_1029 = arith.constant 0 : i32
    %sign3A_1030 = arith.cmpi slt, %jit3A_1017, %sign3A_1029 : i32
    %sign3A_1031 = arith.extui %sign3A_1030 : i1 to i32
    %sign3A_1032 = arith.subi %sign3A_1028, %sign3A_1031 : i32
    %ne3A_1033 = arith.cmpi ne, %sign3A_1025, %sign3A_1032 : i32
    %rem3A_1034 = arith.remsi %squeeze3A_1016, %jit3A_1017 : i32
    %ne3A_1035 = arith.constant 0 : i32
    %ne3A_1036 = arith.cmpi ne, %rem3A_1034, %ne3A_1035 : i32
    %and3A_1037 = arith.andi %ne3A_1033, %ne3A_1036 : i1
    %sub3A_1038 = arith.constant 1 : i32
    %sub3A_1039 = arith.subi %div3A_1018, %sub3A_1038 : i32
    %select_n3A_1040 = arith.select %and3A_1037, %sub3A_1039, %div3A_1018 : i32
    %mul3A_1041 = arith.constant 128 : i32
    %mul3A_1042 = arith.muli %select_n3A_1040, %mul3A_1041 : i32
    %multiple_of3A_1043 = tpu.assume_multiple %mul3A_1042, 128 : i32
    %dma_start3A_1044 = arith.constant 20 : i32
    %dma_start3A_1045 = arith.constant 20 : i32
    %dma_start3A_1046 = arith.constant 0 : i32
    %dma_start3A_1047 = arith.constant 0 : i32
    %dma_start3A_1048 = tpu.memref_slice %arg10[%dma_start3A_1044, %dma_start3A_1046, %dma_start3A_1047] : memref<22x32x128xf32, #tpu.memory_space<vmem>> -> memref<1x32x128xf32, #tpu.memory_space<vmem>>
    %dma_start3A_1049 = tpu.memref_squeeze %dma_start3A_1048 : memref<1x32x128xf32, #tpu.memory_space<vmem>> -> memref<32x128xf32, #tpu.memory_space<vmem>>
    %dma_start3A_1050 = arith.constant 0 : i32
    %dma_start3A_1051 = tpu.memref_slice %arg2[%dma_start3A_1050, %multiple_of3A_1043] : memref<32x1000000xf32, #tpu.memory_space<hbm>> -> memref<32x128xf32, #tpu.memory_space<hbm>>
    %dma_start3A_1052 = tpu.memref_slice %arg13[%dma_start3A_1045] : memref<22x!tpu.dma_semaphore, #tpu.memory_space<semaphore_mem>> -> memref<1x!tpu.dma_semaphore, #tpu.memory_space<semaphore_mem>>
    %dma_start3A_1053 = tpu.memref_squeeze %dma_start3A_1052 : memref<1x!tpu.dma_semaphore, #tpu.memory_space<semaphore_mem>> -> memref<!tpu.dma_semaphore, #tpu.memory_space<semaphore_mem>>
    %dma_start3A_1054 = arith.constant 0 : i32
    %dma_start3A_1055 = arith.constant 0 : i32
    %dma_start3A_1056 = tpu.memref_slice %arg10[%dma_start3A_1044, %dma_start3A_1054, %dma_start3A_1055] : memref<22x32x128xf32, #tpu.memory_space<vmem>> -> memref<1x32x128xf32, #tpu.memory_space<vmem>>
    %dma_start3A_1057 = tpu.memref_squeeze %dma_start3A_1056 : memref<1x32x128xf32, #tpu.memory_space<vmem>> -> memref<32x128xf32, #tpu.memory_space<vmem>>
    %dma_start3A_1058 = arith.constant 0 : i32
    %dma_start3A_1059 = tpu.memref_slice %arg2[%dma_start3A_1058, %multiple_of3A_1043] : memref<32x1000000xf32, #tpu.memory_space<hbm>> -> memref<32x128xf32, #tpu.memory_space<hbm>>
    tpu.enqueue_dma source(%dma_start3A_1059 : memref<32x128xf32, #tpu.memory_space<hbm>>) target(%dma_start3A_1057 : memref<32x128xf32, #tpu.memory_space<vmem>>) target_semaphore(%dma_start3A_1053 : memref<!tpu.dma_semaphore, #tpu.memory_space<semaphore_mem>>)
    %broadcast_in_dim3A_1060 = arith.constant 0 : i32
    %broadcast_in_dim3A_1061 = vector.broadcast %broadcast_in_dim3A_1060 : i32 to vector<16xi32>
    %add3A_1062 = arith.constant 10 : i32
    %add3A_1063 = vector.broadcast %add3A_1062 : i32 to vector<16xi32>
    %add3A_1064 = arith.addi %broadcast_in_dim3A_1061, %add3A_1063 : vector<16xi32>
    %gather3A_1065 = tpu.vector_load_idx %arg9[%add3A_1064] : memref<512xi32, #tpu.memory_space<vmem>>[vector<16xi32>], vector<16xi32>,
    %slice3A_1066 = vector.extract_strided_slice %gather3A_1065 {offsets = [0], sizes = [1], strides = [1]} : vector<16xi32> to vector<1xi32>
    %squeeze3A_1067 = vector.extract %slice3A_1066[0] : i32 from vector<1xi32>
    %jit3A_1068 = arith.constant 128 : i32
    %div3A_1069 = arith.divsi %squeeze3A_1067, %jit3A_1068 : i32
    %sign3A_1070 = arith.constant 0 : i32
    %sign3A_1071 = arith.cmpi sgt, %squeeze3A_1067, %sign3A_1070 : i32
    %sign3A_1072 = arith.extui %sign3A_1071 : i1 to i32
    %sign3A_1073 = arith.constant 0 : i32
    %sign3A_1074 = arith.cmpi slt, %squeeze3A_1067, %sign3A_1073 : i32
    %sign3A_1075 = arith.extui %sign3A_1074 : i1 to i32
    %sign3A_1076 = arith.subi %sign3A_1072, %sign3A_1075 : i32
    %sign3A_1077 = arith.constant 0 : i32
    %sign3A_1078 = arith.cmpi sgt, %jit3A_1068, %sign3A_1077 : i32
    %sign3A_1079 = arith.extui %sign3A_1078 : i1 to i32
    %sign3A_1080 = arith.constant 0 : i32
    %sign3A_1081 = arith.cmpi slt, %jit3A_1068, %sign3A_1080 : i32
    %sign3A_1082 = arith.extui %sign3A_1081 : i1 to i32
    %sign3A_1083 = arith.subi %sign3A_1079, %sign3A_1082 : i32
    %ne3A_1084 = arith.cmpi ne, %sign3A_1076, %sign3A_1083 : i32
    %rem3A_1085 = arith.remsi %squeeze3A_1067, %jit3A_1068 : i32
    %ne3A_1086 = arith.constant 0 : i32
    %ne3A_1087 = arith.cmpi ne, %rem3A_1085, %ne3A_1086 : i32
    %and3A_1088 = arith.andi %ne3A_1084, %ne3A_1087 : i1
    %sub3A_1089 = arith.constant 1 : i32
    %sub3A_1090 = arith.subi %div3A_1069, %sub3A_1089 : i32
    %select_n3A_1091 = arith.select %and3A_1088, %sub3A_1090, %div3A_1069 : i32
    %mul3A_1092 = arith.constant 128 : i32
    %mul3A_1093 = arith.muli %select_n3A_1091, %mul3A_1092 : i32
    %multiple_of3A_1094 = tpu.assume_multiple %mul3A_1093, 128 : i32
    %dma_start3A_1095 = arith.constant 21 : i32
    %dma_start3A_1096 = arith.constant 21 : i32
    %dma_start3A_1097 = arith.constant 0 : i32
    %dma_start3A_1098 = arith.constant 0 : i32
    %dma_start3A_1099 = tpu.memref_slice %arg10[%dma_start3A_1095, %dma_start3A_1097, %dma_start3A_1098] : memref<22x32x128xf32, #tpu.memory_space<vmem>> -> memref<1x32x128xf32, #tpu.memory_space<vmem>>
    %dma_start3A_1100 = tpu.memref_squeeze %dma_start3A_1099 : memref<1x32x128xf32, #tpu.memory_space<vmem>> -> memref<32x128xf32, #tpu.memory_space<vmem>>
    %dma_start3A_1101 = arith.constant 0 : i32
    %dma_start3A_1102 = tpu.memref_slice %arg3[%dma_start3A_1101, %multiple_of3A_1094] : memref<32x1000000xf32, #tpu.memory_space<hbm>> -> memref<32x128xf32, #tpu.memory_space<hbm>>
    %dma_start3A_1103 = tpu.memref_slice %arg13[%dma_start3A_1096] : memref<22x!tpu.dma_semaphore, #tpu.memory_space<semaphore_mem>> -> memref<1x!tpu.dma_semaphore, #tpu.memory_space<semaphore_mem>>
    %dma_start3A_1104 = tpu.memref_squeeze %dma_start3A_1103 : memref<1x!tpu.dma_semaphore, #tpu.memory_space<semaphore_mem>> -> memref<!tpu.dma_semaphore, #tpu.memory_space<semaphore_mem>>
    %dma_start3A_1105 = arith.constant 0 : i32
    %dma_start3A_1106 = arith.constant 0 : i32
    %dma_start3A_1107 = tpu.memref_slice %arg10[%dma_start3A_1095, %dma_start3A_1105, %dma_start3A_1106] : memref<22x32x128xf32, #tpu.memory_space<vmem>> -> memref<1x32x128xf32, #tpu.memory_space<vmem>>
    %dma_start3A_1108 = tpu.memref_squeeze %dma_start3A_1107 : memref<1x32x128xf32, #tpu.memory_space<vmem>> -> memref<32x128xf32, #tpu.memory_space<vmem>>
    %dma_start3A_1109 = arith.constant 0 : i32
    %dma_start3A_1110 = tpu.memref_slice %arg3[%dma_start3A_1109, %multiple_of3A_1094] : memref<32x1000000xf32, #tpu.memory_space<hbm>> -> memref<32x128xf32, #tpu.memory_space<hbm>>
    tpu.enqueue_dma source(%dma_start3A_1110 : memref<32x128xf32, #tpu.memory_space<hbm>>) target(%dma_start3A_1108 : memref<32x128xf32, #tpu.memory_space<vmem>>) target_semaphore(%dma_start3A_1104 : memref<!tpu.dma_semaphore, #tpu.memory_space<semaphore_mem>>)
    %scan3A = arith.constant 0 : i32
    %scan3A_1111 = arith.constant 0 : i32
    %scan3A_1112 = arith.constant 512 : i32
    %scan3A_1113 = arith.addi %scan3A_1111, %scan3A_1112 : i32
    %scan3A_1114 = arith.constant 1 : i32
    scf.for %scan3A_1116 = %scan3A_1111 to %scan3A_1113 step %scan3A_1114  : i32 {
      %rem3A_1117 = arith.constant 11 : i32
      %rem3A_1118 = arith.remsi %scan3A_1116, %rem3A_1117 : i32
      %mul3A_1119 = arith.constant 2 : i32
      %mul3A_1120 = arith.muli %mul3A_1119, %rem3A_1118 : i32
      %dma_wait3A = arith.constant 0 : i32
      %dma_wait3A_1121 = arith.constant 0 : i32
      %dma_wait3A_1122 = tpu.memref_slice %arg10[%mul3A_1120, %dma_wait3A, %dma_wait3A_1121] : memref<22x32x128xf32, #tpu.memory_space<vmem>> -> memref<1x32x128xf32, #tpu.memory_space<vmem>>
      %dma_wait3A_1123 = tpu.memref_squeeze %dma_wait3A_1122 : memref<1x32x128xf32, #tpu.memory_space<vmem>> -> memref<32x128xf32, #tpu.memory_space<vmem>>
      %dma_wait3A_1124 = arith.constant 0 : i32
      %dma_wait3A_1125 = arith.constant 0 : i32
      %dma_wait3A_1126 = tpu.memref_slice %arg2[%dma_wait3A_1124, %dma_wait3A_1125] : memref<32x1000000xf32, #tpu.memory_space<hbm>> -> memref<32x128xf32, #tpu.memory_space<hbm>>
      %dma_wait3A_1127 = tpu.memref_slice %arg13[%mul3A_1120] : memref<22x!tpu.dma_semaphore, #tpu.memory_space<semaphore_mem>> -> memref<1x!tpu.dma_semaphore, #tpu.memory_space<semaphore_mem>>
      %dma_wait3A_1128 = tpu.memref_squeeze %dma_wait3A_1127 : memref<1x!tpu.dma_semaphore, #tpu.memory_space<semaphore_mem>> -> memref<!tpu.dma_semaphore, #tpu.memory_space<semaphore_mem>>
      %dma_wait3A_1129 = arith.constant 0 : i32
      %dma_wait3A_1130 = arith.constant 0 : i32
      %dma_wait3A_1131 = tpu.memref_slice %arg10[%mul3A_1120, %dma_wait3A_1129, %dma_wait3A_1130] : memref<22x32x128xf32, #tpu.memory_space<vmem>> -> memref<1x32x128xf32, #tpu.memory_space<vmem>>
      %dma_wait3A_1132 = tpu.memref_squeeze %dma_wait3A_1131 : memref<1x32x128xf32, #tpu.memory_space<vmem>> -> memref<32x128xf32, #tpu.memory_space<vmem>>
      %dma_wait3A_1133 = arith.constant 0 : i32
      %dma_wait3A_1134 = arith.constant 0 : i32
      %dma_wait3A_1135 = tpu.memref_slice %arg2[%dma_wait3A_1133, %dma_wait3A_1134] : memref<32x1000000xf32, #tpu.memory_space<hbm>> -> memref<32x128xf32, #tpu.memory_space<hbm>>
      tpu.wait_dma2 semaphore(%dma_wait3A_1128 : memref<!tpu.dma_semaphore, #tpu.memory_space<semaphore_mem>>) src(%dma_wait3A_1135 : memref<32x128xf32, #tpu.memory_space<hbm>>) dst(%dma_wait3A_1132 : memref<32x128xf32, #tpu.memory_space<vmem>>)
      %broadcast_in_dim3A_1136 = arith.constant 0 : i32
      %broadcast_in_dim3A_1137 = vector.broadcast %broadcast_in_dim3A_1136 : i32 to vector<16xi32>
      %add3A_1138 = vector.broadcast %scan3A_1116 : i32 to vector<16xi32>
      %add3A_1139 = arith.addi %broadcast_in_dim3A_1137, %add3A_1138 : vector<16xi32>
      %gather3A_1140 = tpu.vector_load_idx %arg8[%add3A_1139] : memref<512xi32, #tpu.memory_space<vmem>>[vector<16xi32>], vector<16xi32>,
      %rem3A_1141 = arith.constant 128 : i32
      %rem3A_1142 = vector.broadcast %rem3A_1141 : i32 to vector<16xi32>
      %rem3A_1143 = arith.remsi %gather3A_1140, %rem3A_1142 : vector<16xi32>
      %broadcast_in_dim3A_1144 = arith.constant 0 : i32
      %broadcast_in_dim3A_1145 = vector.broadcast %broadcast_in_dim3A_1144 : i32 to vector<16xi32>
      %add3A_1146 = vector.broadcast %scan3A_1116 : i32 to vector<16xi32>
      %add3A_1147 = arith.addi %broadcast_in_dim3A_1145, %add3A_1146 : vector<16xi32>
      %broadcast_in_dim3A_1148 = arith.constant 0 : i32
      %broadcast_in_dim3A_1149 = vector.broadcast %broadcast_in_dim3A_1148 : i32 to vector<16xi32>
      %add3A_1150 = vector.broadcast %mul3A_1120 : i32 to vector<16xi32>
      %add3A_1151 = arith.addi %broadcast_in_dim3A_1149, %add3A_1150 : vector<16xi32>
      %iota3A = tpu.iota {dimensions = array<i32: 0>} : vector<16xi32>
      %add3A_1152 = arith.constant 16 : i32
      %add3A_1153 = vector.broadcast %add3A_1152 : i32 to vector<16xi32>
      %add3A_1154 = arith.addi %iota3A, %add3A_1153 : vector<16xi32>
      %gather3A_1155 = tpu.vector_load_idx %arg10[%add3A_1151, %iota3A, %rem3A_1143] : memref<22x32x128xf32, #tpu.memory_space<vmem>>[vector<16xi32>, vector<16xi32>, vector<16xi32>], vector<16xf32>,
      %gather3A_1156 = tpu.vector_load_idx %arg10[%add3A_1151, %add3A_1154, %rem3A_1143] : memref<22x32x128xf32, #tpu.memory_space<vmem>>[vector<16xi32>, vector<16xi32>, vector<16xi32>], vector<16xf32>,
      tpu.vector_store_idx %arg11[%iota3A, %add3A_1147], %gather3A_1155 : memref<32x512xf32, #tpu.memory_space<vmem>>[vector<16xi32>, vector<16xi32>], vector<16xf32>,
      tpu.vector_store_idx %arg11[%add3A_1154, %add3A_1147], %gather3A_1156 : memref<32x512xf32, #tpu.memory_space<vmem>>[vector<16xi32>, vector<16xi32>], vector<16xf32>,
      %mul3A_1157 = arith.constant 2 : i32
      %mul3A_1158 = arith.muli %mul3A_1157, %rem3A_1118 : i32
      %add3A_1159 = arith.constant 1 : i32
      %add3A_1160 = arith.addi %mul3A_1158, %add3A_1159 : i32
      %dma_wait3A_1161 = arith.constant 0 : i32
      %dma_wait3A_1162 = arith.constant 0 : i32
      %dma_wait3A_1163 = tpu.memref_slice %arg10[%add3A_1160, %dma_wait3A_1161, %dma_wait3A_1162] : memref<22x32x128xf32, #tpu.memory_space<vmem>> -> memref<1x32x128xf32, #tpu.memory_space<vmem>>
      %dma_wait3A_1164 = tpu.memref_squeeze %dma_wait3A_1163 : memref<1x32x128xf32, #tpu.memory_space<vmem>> -> memref<32x128xf32, #tpu.memory_space<vmem>>
      %dma_wait3A_1165 = arith.constant 0 : i32
      %dma_wait3A_1166 = arith.constant 0 : i32
      %dma_wait3A_1167 = tpu.memref_slice %arg2[%dma_wait3A_1165, %dma_wait3A_1166] : memref<32x1000000xf32, #tpu.memory_space<hbm>> -> memref<32x128xf32, #tpu.memory_space<hbm>>
      %dma_wait3A_1168 = tpu.memref_slice %arg13[%add3A_1160] : memref<22x!tpu.dma_semaphore, #tpu.memory_space<semaphore_mem>> -> memref<1x!tpu.dma_semaphore, #tpu.memory_space<semaphore_mem>>
      %dma_wait3A_1169 = tpu.memref_squeeze %dma_wait3A_1168 : memref<1x!tpu.dma_semaphore, #tpu.memory_space<semaphore_mem>> -> memref<!tpu.dma_semaphore, #tpu.memory_space<semaphore_mem>>
      %dma_wait3A_1170 = arith.constant 0 : i32
      %dma_wait3A_1171 = arith.constant 0 : i32
      %dma_wait3A_1172 = tpu.memref_slice %arg10[%add3A_1160, %dma_wait3A_1170, %dma_wait3A_1171] : memref<22x32x128xf32, #tpu.memory_space<vmem>> -> memref<1x32x128xf32, #tpu.memory_space<vmem>>
      %dma_wait3A_1173 = tpu.memref_squeeze %dma_wait3A_1172 : memref<1x32x128xf32, #tpu.memory_space<vmem>> -> memref<32x128xf32, #tpu.memory_space<vmem>>
      %dma_wait3A_1174 = arith.constant 0 : i32
      %dma_wait3A_1175 = arith.constant 0 : i32
      %dma_wait3A_1176 = tpu.memref_slice %arg2[%dma_wait3A_1174, %dma_wait3A_1175] : memref<32x1000000xf32, #tpu.memory_space<hbm>> -> memref<32x128xf32, #tpu.memory_space<hbm>>
      tpu.wait_dma2 semaphore(%dma_wait3A_1169 : memref<!tpu.dma_semaphore, #tpu.memory_space<semaphore_mem>>) src(%dma_wait3A_1176 : memref<32x128xf32, #tpu.memory_space<hbm>>) dst(%dma_wait3A_1173 : memref<32x128xf32, #tpu.memory_space<vmem>>)
      %broadcast_in_dim3A_1177 = arith.constant 0 : i32
      %broadcast_in_dim3A_1178 = vector.broadcast %broadcast_in_dim3A_1177 : i32 to vector<16xi32>
      %add3A_1179 = vector.broadcast %scan3A_1116 : i32 to vector<16xi32>
      %add3A_1180 = arith.addi %broadcast_in_dim3A_1178, %add3A_1179 : vector<16xi32>
      %gather3A_1181 = tpu.vector_load_idx %arg9[%add3A_1180] : memref<512xi32, #tpu.memory_space<vmem>>[vector<16xi32>], vector<16xi32>,
      %rem3A_1182 = arith.constant 128 : i32
      %rem3A_1183 = vector.broadcast %rem3A_1182 : i32 to vector<16xi32>
      %rem3A_1184 = arith.remsi %gather3A_1181, %rem3A_1183 : vector<16xi32>
      %broadcast_in_dim3A_1185 = arith.constant 0 : i32
      %broadcast_in_dim3A_1186 = vector.broadcast %broadcast_in_dim3A_1185 : i32 to vector<16xi32>
      %add3A_1187 = vector.broadcast %scan3A_1116 : i32 to vector<16xi32>
      %add3A_1188 = arith.addi %broadcast_in_dim3A_1186, %add3A_1187 : vector<16xi32>
      %broadcast_in_dim3A_1189 = arith.constant 0 : i32
      %broadcast_in_dim3A_1190 = vector.broadcast %broadcast_in_dim3A_1189 : i32 to vector<16xi32>
      %add3A_1191 = vector.broadcast %add3A_1160 : i32 to vector<16xi32>
      %add3A_1192 = arith.addi %broadcast_in_dim3A_1190, %add3A_1191 : vector<16xi32>
      %iota3A_1193 = tpu.iota {dimensions = array<i32: 0>} : vector<16xi32>
      %add3A_1194 = arith.constant 16 : i32
      %add3A_1195 = vector.broadcast %add3A_1194 : i32 to vector<16xi32>
      %add3A_1196 = arith.addi %iota3A_1193, %add3A_1195 : vector<16xi32>
      %gather3A_1197 = tpu.vector_load_idx %arg10[%add3A_1192, %iota3A_1193, %rem3A_1184] : memref<22x32x128xf32, #tpu.memory_space<vmem>>[vector<16xi32>, vector<16xi32>, vector<16xi32>], vector<16xf32>,
      %gather3A_1198 = tpu.vector_load_idx %arg10[%add3A_1192, %add3A_1196, %rem3A_1184] : memref<22x32x128xf32, #tpu.memory_space<vmem>>[vector<16xi32>, vector<16xi32>, vector<16xi32>], vector<16xf32>,
      tpu.vector_store_idx %arg12[%iota3A_1193, %add3A_1188], %gather3A_1197 : memref<32x512xf32, #tpu.memory_space<vmem>>[vector<16xi32>, vector<16xi32>], vector<16xf32>,
      tpu.vector_store_idx %arg12[%add3A_1196, %add3A_1188], %gather3A_1198 : memref<32x512xf32, #tpu.memory_space<vmem>>[vector<16xi32>, vector<16xi32>], vector<16xf32>,
      %add3A_1199 = arith.constant 11 : i32
      %add3A_1200 = arith.addi %scan3A_1116, %add3A_1199 : i32
      %lt3A = arith.constant 512 : i32
      %lt3A_1201 = arith.cmpi slt, %add3A_1200, %lt3A : i32
      %convert_element_type3A = arith.extui %lt3A_1201 : i1 to i32
      %cond3A = arith.constant 0 : i32
      %cond3A_1202 = arith.cmpi ne, %convert_element_type3A, %cond3A : i32
      scf.if %cond3A_1202 {
        %add3A_1203 = arith.constant 11 : i32
        %add3A_1204 = arith.addi %scan3A_1116, %add3A_1203 : i32
        %mul3A_1205 = arith.constant 2 : i32
        %mul3A_1206 = arith.muli %mul3A_1205, %rem3A_1118 : i32
        %broadcast_in_dim3A_1207 = arith.constant 0 : i32
        %broadcast_in_dim3A_1208 = vector.broadcast %broadcast_in_dim3A_1207 : i32 to vector<16xi32>
        %add3A_1209 = vector.broadcast %add3A_1204 : i32 to vector<16xi32>
        %add3A_1210 = arith.addi %broadcast_in_dim3A_1208, %add3A_1209 : vector<16xi32>
        %gather3A_1211 = tpu.vector_load_idx %arg8[%add3A_1210] : memref<512xi32, #tpu.memory_space<vmem>>[vector<16xi32>], vector<16xi32>,
        %slice3A_1212 = vector.extract_strided_slice %gather3A_1211 {offsets = [0], sizes = [1], strides = [1]} : vector<16xi32> to vector<1xi32>
        %squeeze3A_1213 = vector.extract %slice3A_1212[0] : i32 from vector<1xi32>
        %jit3A_1214 = arith.constant 128 : i32
        %div3A_1215 = arith.divsi %squeeze3A_1213, %jit3A_1214 : i32
        %sign3A_1216 = arith.constant 0 : i32
        %sign3A_1217 = arith.cmpi sgt, %squeeze3A_1213, %sign3A_1216 : i32
        %sign3A_1218 = arith.extui %sign3A_1217 : i1 to i32
        %sign3A_1219 = arith.constant 0 : i32
        %sign3A_1220 = arith.cmpi slt, %squeeze3A_1213, %sign3A_1219 : i32
        %sign3A_1221 = arith.extui %sign3A_1220 : i1 to i32
        %sign3A_1222 = arith.subi %sign3A_1218, %sign3A_1221 : i32
        %sign3A_1223 = arith.constant 0 : i32
        %sign3A_1224 = arith.cmpi sgt, %jit3A_1214, %sign3A_1223 : i32
        %sign3A_1225 = arith.extui %sign3A_1224 : i1 to i32
        %sign3A_1226 = arith.constant 0 : i32
        %sign3A_1227 = arith.cmpi slt, %jit3A_1214, %sign3A_1226 : i32
        %sign3A_1228 = arith.extui %sign3A_1227 : i1 to i32
        %sign3A_1229 = arith.subi %sign3A_1225, %sign3A_1228 : i32
        %ne3A_1230 = arith.cmpi ne, %sign3A_1222, %sign3A_1229 : i32
        %rem3A_1231 = arith.remsi %squeeze3A_1213, %jit3A_1214 : i32
        %ne3A_1232 = arith.constant 0 : i32
        %ne3A_1233 = arith.cmpi ne, %rem3A_1231, %ne3A_1232 : i32
        %and3A_1234 = arith.andi %ne3A_1230, %ne3A_1233 : i1
        %sub3A_1235 = arith.constant 1 : i32
        %sub3A_1236 = arith.subi %div3A_1215, %sub3A_1235 : i32
        %select_n3A_1237 = arith.select %and3A_1234, %sub3A_1236, %div3A_1215 : i32
        %mul3A_1238 = arith.constant 128 : i32
        %mul3A_1239 = arith.muli %select_n3A_1237, %mul3A_1238 : i32
        %multiple_of3A_1240 = tpu.assume_multiple %mul3A_1239, 128 : i32
        %dma_start3A_1241 = arith.constant 0 : i32
        %dma_start3A_1242 = arith.constant 0 : i32
        %dma_start3A_1243 = tpu.memref_slice %arg10[%mul3A_1206, %dma_start3A_1241, %dma_start3A_1242] : memref<22x32x128xf32, #tpu.memory_space<vmem>> -> memref<1x32x128xf32, #tpu.memory_space<vmem>>
        %dma_start3A_1244 = tpu.memref_squeeze %dma_start3A_1243 : memref<1x32x128xf32, #tpu.memory_space<vmem>> -> memref<32x128xf32, #tpu.memory_space<vmem>>
        %dma_start3A_1245 = arith.constant 0 : i32
        %dma_start3A_1246 = tpu.memref_slice %arg2[%dma_start3A_1245, %multiple_of3A_1240] : memref<32x1000000xf32, #tpu.memory_space<hbm>> -> memref<32x128xf32, #tpu.memory_space<hbm>>
        %dma_start3A_1247 = tpu.memref_slice %arg13[%mul3A_1206] : memref<22x!tpu.dma_semaphore, #tpu.memory_space<semaphore_mem>> -> memref<1x!tpu.dma_semaphore, #tpu.memory_space<semaphore_mem>>
        %dma_start3A_1248 = tpu.memref_squeeze %dma_start3A_1247 : memref<1x!tpu.dma_semaphore, #tpu.memory_space<semaphore_mem>> -> memref<!tpu.dma_semaphore, #tpu.memory_space<semaphore_mem>>
        %dma_start3A_1249 = arith.constant 0 : i32
        %dma_start3A_1250 = arith.constant 0 : i32
        %dma_start3A_1251 = tpu.memref_slice %arg10[%mul3A_1206, %dma_start3A_1249, %dma_start3A_1250] : memref<22x32x128xf32, #tpu.memory_space<vmem>> -> memref<1x32x128xf32, #tpu.memory_space<vmem>>
        %dma_start3A_1252 = tpu.memref_squeeze %dma_start3A_1251 : memref<1x32x128xf32, #tpu.memory_space<vmem>> -> memref<32x128xf32, #tpu.memory_space<vmem>>
        %dma_start3A_1253 = arith.constant 0 : i32
        %dma_start3A_1254 = tpu.memref_slice %arg2[%dma_start3A_1253, %multiple_of3A_1240] : memref<32x1000000xf32, #tpu.memory_space<hbm>> -> memref<32x128xf32, #tpu.memory_space<hbm>>
        tpu.enqueue_dma source(%dma_start3A_1254 : memref<32x128xf32, #tpu.memory_space<hbm>>) target(%dma_start3A_1252 : memref<32x128xf32, #tpu.memory_space<vmem>>) target_semaphore(%dma_start3A_1248 : memref<!tpu.dma_semaphore, #tpu.memory_space<semaphore_mem>>)
        %add3A_1255 = arith.constant 11 : i32
        %add3A_1256 = arith.addi %scan3A_1116, %add3A_1255 : i32
        %mul3A_1257 = arith.constant 2 : i32
        %mul3A_1258 = arith.muli %mul3A_1257, %rem3A_1118 : i32
        %add3A_1259 = arith.constant 1 : i32
        %add3A_1260 = arith.addi %mul3A_1258, %add3A_1259 : i32
        %broadcast_in_dim3A_1261 = arith.constant 0 : i32
        %broadcast_in_dim3A_1262 = vector.broadcast %broadcast_in_dim3A_1261 : i32 to vector<16xi32>
        %add3A_1263 = vector.broadcast %add3A_1256 : i32 to vector<16xi32>
        %add3A_1264 = arith.addi %broadcast_in_dim3A_1262, %add3A_1263 : vector<16xi32>
        %gather3A_1265 = tpu.vector_load_idx %arg9[%add3A_1264] : memref<512xi32, #tpu.memory_space<vmem>>[vector<16xi32>], vector<16xi32>,
        %slice3A_1266 = vector.extract_strided_slice %gather3A_1265 {offsets = [0], sizes = [1], strides = [1]} : vector<16xi32> to vector<1xi32>
        %squeeze3A_1267 = vector.extract %slice3A_1266[0] : i32 from vector<1xi32>
        %jit3A_1268 = arith.constant 128 : i32
        %div3A_1269 = arith.divsi %squeeze3A_1267, %jit3A_1268 : i32
        %sign3A_1270 = arith.constant 0 : i32
        %sign3A_1271 = arith.cmpi sgt, %squeeze3A_1267, %sign3A_1270 : i32
        %sign3A_1272 = arith.extui %sign3A_1271 : i1 to i32
        %sign3A_1273 = arith.constant 0 : i32
        %sign3A_1274 = arith.cmpi slt, %squeeze3A_1267, %sign3A_1273 : i32
        %sign3A_1275 = arith.extui %sign3A_1274 : i1 to i32
        %sign3A_1276 = arith.subi %sign3A_1272, %sign3A_1275 : i32
        %sign3A_1277 = arith.constant 0 : i32
        %sign3A_1278 = arith.cmpi sgt, %jit3A_1268, %sign3A_1277 : i32
        %sign3A_1279 = arith.extui %sign3A_1278 : i1 to i32
        %sign3A_1280 = arith.constant 0 : i32
        %sign3A_1281 = arith.cmpi slt, %jit3A_1268, %sign3A_1280 : i32
        %sign3A_1282 = arith.extui %sign3A_1281 : i1 to i32
        %sign3A_1283 = arith.subi %sign3A_1279, %sign3A_1282 : i32
        %ne3A_1284 = arith.cmpi ne, %sign3A_1276, %sign3A_1283 : i32
        %rem3A_1285 = arith.remsi %squeeze3A_1267, %jit3A_1268 : i32
        %ne3A_1286 = arith.constant 0 : i32
        %ne3A_1287 = arith.cmpi ne, %rem3A_1285, %ne3A_1286 : i32
        %and3A_1288 = arith.andi %ne3A_1284, %ne3A_1287 : i1
        %sub3A_1289 = arith.constant 1 : i32
        %sub3A_1290 = arith.subi %div3A_1269, %sub3A_1289 : i32
        %select_n3A_1291 = arith.select %and3A_1288, %sub3A_1290, %div3A_1269 : i32
        %mul3A_1292 = arith.constant 128 : i32
        %mul3A_1293 = arith.muli %select_n3A_1291, %mul3A_1292 : i32
        %multiple_of3A_1294 = tpu.assume_multiple %mul3A_1293, 128 : i32
        %dma_start3A_1295 = arith.constant 0 : i32
        %dma_start3A_1296 = arith.constant 0 : i32
        %dma_start3A_1297 = tpu.memref_slice %arg10[%add3A_1260, %dma_start3A_1295, %dma_start3A_1296] : memref<22x32x128xf32, #tpu.memory_space<vmem>> -> memref<1x32x128xf32, #tpu.memory_space<vmem>>
        %dma_start3A_1298 = tpu.memref_squeeze %dma_start3A_1297 : memref<1x32x128xf32, #tpu.memory_space<vmem>> -> memref<32x128xf32, #tpu.memory_space<vmem>>
        %dma_start3A_1299 = arith.constant 0 : i32
        %dma_start3A_1300 = tpu.memref_slice %arg3[%dma_start3A_1299, %multiple_of3A_1294] : memref<32x1000000xf32, #tpu.memory_space<hbm>> -> memref<32x128xf32, #tpu.memory_space<hbm>>
        %dma_start3A_1301 = tpu.memref_slice %arg13[%add3A_1260] : memref<22x!tpu.dma_semaphore, #tpu.memory_space<semaphore_mem>> -> memref<1x!tpu.dma_semaphore, #tpu.memory_space<semaphore_mem>>
        %dma_start3A_1302 = tpu.memref_squeeze %dma_start3A_1301 : memref<1x!tpu.dma_semaphore, #tpu.memory_space<semaphore_mem>> -> memref<!tpu.dma_semaphore, #tpu.memory_space<semaphore_mem>>
        %dma_start3A_1303 = arith.constant 0 : i32
        %dma_start3A_1304 = arith.constant 0 : i32
        %dma_start3A_1305 = tpu.memref_slice %arg10[%add3A_1260, %dma_start3A_1303, %dma_start3A_1304] : memref<22x32x128xf32, #tpu.memory_space<vmem>> -> memref<1x32x128xf32, #tpu.memory_space<vmem>>
        %dma_start3A_1306 = tpu.memref_squeeze %dma_start3A_1305 : memref<1x32x128xf32, #tpu.memory_space<vmem>> -> memref<32x128xf32, #tpu.memory_space<vmem>>
        %dma_start3A_1307 = arith.constant 0 : i32
        %dma_start3A_1308 = tpu.memref_slice %arg3[%dma_start3A_1307, %multiple_of3A_1294] : memref<32x1000000xf32, #tpu.memory_space<hbm>> -> memref<32x128xf32, #tpu.memory_space<hbm>>
        tpu.enqueue_dma source(%dma_start3A_1308 : memref<32x128xf32, #tpu.memory_space<hbm>>) target(%dma_start3A_1306 : memref<32x128xf32, #tpu.memory_space<vmem>>) target_semaphore(%dma_start3A_1302 : memref<!tpu.dma_semaphore, #tpu.memory_space<semaphore_mem>>)
      } else {
      }
    }
    %scan3A_1115 = arith.constant 512 : i32
    "tpu.region"() ({
      %run_scoped3A = tpu.sem_alloc : memref<!tpu.dma_semaphore, #tpu.memory_space<semaphore_mem>>
      %dma_start3A_1116 = arith.constant 0 : i32
      %dma_start3A_1117 = tpu.memref_slice %arg6[%dma_start3A_1116, %mul3A_2] : memref<32x16384xf32, #tpu.memory_space<hbm>> -> memref<32x512xf32, #tpu.memory_space<hbm>>
      %dma_start3A_1118 = arith.constant 0 : i32
      %dma_start3A_1119 = tpu.memref_slice %arg6[%dma_start3A_1118, %mul3A_2] : memref<32x16384xf32, #tpu.memory_space<hbm>> -> memref<32x512xf32, #tpu.memory_space<hbm>>
      tpu.enqueue_dma source(%arg11 : memref<32x512xf32, #tpu.memory_space<vmem>>) target(%dma_start3A_1119 : memref<32x512xf32, #tpu.memory_space<hbm>>) target_semaphore(%run_scoped3A : memref<!tpu.dma_semaphore, #tpu.memory_space<semaphore_mem>>)
      %dma_wait3A = arith.constant 0 : i32
      %dma_wait3A_1120 = tpu.memref_slice %arg6[%dma_wait3A, %mul3A_2] : memref<32x16384xf32, #tpu.memory_space<hbm>> -> memref<32x512xf32, #tpu.memory_space<hbm>>
      %dma_wait3A_1121 = arith.constant 0 : i32
      %dma_wait3A_1122 = tpu.memref_slice %arg6[%dma_wait3A_1121, %mul3A_2] : memref<32x16384xf32, #tpu.memory_space<hbm>> -> memref<32x512xf32, #tpu.memory_space<hbm>>
      tpu.wait_dma2 semaphore(%run_scoped3A : memref<!tpu.dma_semaphore, #tpu.memory_space<semaphore_mem>>) src(%arg11 : memref<32x512xf32, #tpu.memory_space<vmem>>) dst(%dma_wait3A_1122 : memref<32x512xf32, #tpu.memory_space<hbm>>)
      tpu.yield
    }) : () -> ()
    "tpu.region"() ({
      %run_scoped3A = tpu.sem_alloc : memref<!tpu.dma_semaphore, #tpu.memory_space<semaphore_mem>>
      %dma_start3A_1116 = arith.constant 0 : i32
      %dma_start3A_1117 = tpu.memref_slice %arg7[%dma_start3A_1116, %mul3A_2] : memref<32x16384xf32, #tpu.memory_space<hbm>> -> memref<32x512xf32, #tpu.memory_space<hbm>>
      %dma_start3A_1118 = arith.constant 0 : i32
      %dma_start3A_1119 = tpu.memref_slice %arg7[%dma_start3A_1118, %mul3A_2] : memref<32x16384xf32, #tpu.memory_space<hbm>> -> memref<32x512xf32, #tpu.memory_space<hbm>>
      tpu.enqueue_dma source(%arg12 : memref<32x512xf32, #tpu.memory_space<vmem>>) target(%dma_start3A_1119 : memref<32x512xf32, #tpu.memory_space<hbm>>) target_semaphore(%run_scoped3A : memref<!tpu.dma_semaphore, #tpu.memory_space<semaphore_mem>>)
      %dma_wait3A = arith.constant 0 : i32
      %dma_wait3A_1120 = tpu.memref_slice %arg7[%dma_wait3A, %mul3A_2] : memref<32x16384xf32, #tpu.memory_space<hbm>> -> memref<32x512xf32, #tpu.memory_space<hbm>>
      %dma_wait3A_1121 = arith.constant 0 : i32
      %dma_wait3A_1122 = tpu.memref_slice %arg7[%dma_wait3A_1121, %mul3A_2] : memref<32x16384xf32, #tpu.memory_space<hbm>> -> memref<32x512xf32, #tpu.memory_space<hbm>>
      tpu.wait_dma2 semaphore(%run_scoped3A : memref<!tpu.dma_semaphore, #tpu.memory_space<semaphore_mem>>) src(%arg12 : memref<32x512xf32, #tpu.memory_space<vmem>>) dst(%dma_wait3A_1122 : memref<32x512xf32, #tpu.memory_space<hbm>>)
      tpu.yield
    }) : () -> ()
    return
  }
}

</mosaic_0001>

<sc_bundles>
// kernel: _sc_gather.3.cloned.1.call-start
scs
__scs_entry_jumppad:
0x0: {  	(pc) =	sbr.rel $0x88, $3  }
0x1: {  	(tag) =	ssettag $0x0;
	lr =	simm.s32 $0x1  }
0x2: {  	[smem:$0x3F9D] =	sst lr;
	_ =	strace $0xD0000000  }
0x3: {  	_ = 	snop  }
0x4: {  	_ = 	snop  }
0x5: {  	_ = 	snop  }
0x6: {  	_ = 	snop  }
0x7: {  	_ = 	snop  }
__scs_overlays_trampoline_lowered:
0x8: {  	[smem:$0x3FAC] =	sst s0  }
0x9: {  	[smem:$0x3FAD] =	sst s1  }
0xa: {  	[smem:$0x3FAE] =	sst s2  }
0xb: {  	[smem:$0x3FAF] =	sst s3  }
0xc: {  	[smem:$0x3FB0] =	sst s4  }
0xd: {  	[smem:$0x3FB1] =	sst s5  }
0xe: {  	[smem:$0x3FB2] =	sst s6  }
0xf: {  	[smem:$0x3FB3] =	sst s7  }
0x10: {  	[smem:$0x3FB4] =	sst s8  }
0x11: {  	[smem:$0x3FB5] =	sst s9;
	s0 =	simm.s32 @!p0 $0x0  }
0x12: {  	s1 =	sld [smem:$0x3F9B];
	s0 =	simm.s32 @p0 $0x1  }
0x13: {  	[smem:$0x3FB6] =	sst s0;
	s0 =	simm.s32 @!p1 $0x0  }
0x14: {  	s2 =	sld [smem:$0x3F9A];
	s0 =	simm.s32 @p1 $0x1  }
0x15: {  	[smem:$0x3FB7] =	sst s0;
	s0 =	simm.s32 @!p2 $0x0  }
0x16: {  	s3 =	sld [smem:$0x3FDB];
	s0 =	simm.s32 @p2 $0x1  }
0x17: {  	s4 =	simm.s32 $0x1BF5;
	[smem:$0x3FB9] =	sst s0  }
0x18: {  	s0 =	sld [smem:$0x3F9C];
	_ =	swait.ge [sflag:s4], $0x0  }
0x19: {  	s7 =	sld [smem:$0x3F9D]  }
0x1a: {  	s8 =	sadd.s32 $0xFFFFE003, lr  }
0x1b: {  	s9 =	sadd.s32 $0xFFFFFEF7, lr;
	s5 =	simm.s32 $0xFFFFFFFF;
	p2 =	slt.u32 s8, $0xFFFFF086  }
0x1c: {  	p1 =	slt.u32 s9, $0xF7A;
	s5 =	simm.s32 @!p2 $0x0  }
0x1d: {  	s5 =	simm.s32 @p1 $0x1;
	p0 =	seq.s32 s7, s2  }
0x1e: {  	s7 =	smul.u32 @!p0 $0xF7A, s2;
	p2 =	seq.s32 @!p0 s5, $0x0  }
0x1f: {  	s9 =	smul.u32 $0xF7A, s1;
	s8 =	simm.s32 @!p0 $0x1BF5;
	p2 =	por !p2, p0  }
0x20: {  	[sflag:s8] =	ssyncset.s32 @!p0 $0xFFFFF086;
	s6 =	sadd.s32 @!p0 s3, s7;
	s7 =	simm.s32 @!p0 $0x108  }
0x21: {  	s3 =	sadd.s32 s3, s9;
	s6 =	sadd.s32 @!p0 $0x88, s6;
	s7 =	simm.s32 @p2 $0x1082  }
0x22: {  	[simem:s7], [sflag:s8] =	dma.local @!p0 [hbm:s6], $0xF7A  }
0x23: {  	s9 =	sor.u32 $0xD0000000, s2;
	s6 =	simm.s32 $0x108;
	_ =	swait.ge @!p0 [sflag:s8], $0x0  }
0x24: {  	s3 =	sadd.s32 $0x88, s3;
	s6 =	simm.s32 @!p1 $0x1082;
	[sflag:s4] =	ssyncset.s32 $0xFFFFF086  }
0x25: {  	[simem:s6], [sflag:s4] =	dma.local [hbm:s3], $0xF7A  }
0x26: {  	[smem:$0x3F9D] =	sst s1;
	(tag) =	ssettag s2;
	_ =	strace s9  }
0x27: {  	s1 =	sld [smem:$0x3FAD]  }
0x28: {  	s2 =	sld [smem:$0x3FAE]  }
0x29: {  	s4 =	sld [smem:$0x3FB0]  }
0x2a: {  	p0 =	seq.s32 s5, $0x0;
	s5 =	sld [smem:$0x3FB1]  }
0x2b: {  	s6 =	sld [smem:$0x3FB2]  }
0x2c: {  	s7 =	sld [smem:$0x3FB3]  }
0x2d: {  	s3 =	simm.s32 $0x108;
	s8 =	sld [smem:$0x3FB4]  }
0x2e: {  	s3 =	simm.s32 @!p0 $0x1082;
	s9 =	sld [smem:$0x3FB5]  }
0x2f: {  	lr =	sadd.s32 s0, s3;
	s0 =	sld [smem:$0x3FAC]  }
0x30: {  	s3 =	sld [smem:$0x3FAF]  }
0x31: {  	[smem:$0x3FB8] =	sst s10  }
0x32: {  	s10 =	sld [smem:$0x3FB6];
	_ =	sdelay $0x3  }
0x33: {  	p0 =	seq.s32 s10, $0x1;
	s10 =	sld [smem:$0x3FB8];
	_ =	sdelay $0x3  }
0x34: {  	[smem:$0x3FB8] =	sst s10  }
0x35: {  	s10 =	sld [smem:$0x3FB7];
	_ =	sdelay $0x3  }
0x36: {  	p1 =	seq.s32 s10, $0x1;
	s10 =	sld [smem:$0x3FB8];
	_ =	sdelay $0x3  }
0x37: {  	[smem:$0x3FB8] =	sst s10  }
0x38: {  	s10 =	sld [smem:$0x3FB9]  }
0x39: {  	_ = 	snop;
	(pc) =	sbr.ind lr, $3  }
0x3a: {  	_ = 	snop  }
0x3b: {  	_ = 	snop  }
0x3c: {  	p2 =	seq.s32 s10, $0x1;
	s10 =	sld [smem:$0x3FB8]  }
0x3d: {  	_ =	shalt  }
0x3e: {  	_ =	shalt  }
0x3f: {  	_ =	shalt  }
0x40: {  	_ =	shalt  }
0x41: {  	_ =	shalt  }
0x42: {  	_ =	shalt  }
0x43: {  	_ =	shalt  }
0x44: {  	_ =	shalt  }
0x45: {  	_ =	shalt  }
0x46: {  	_ =	shalt  }
0x47: {  	_ =	shalt  }
0x48: {  	_ =	shalt  }
0x49: {  	_ =	shalt  }
0x4a: {  	_ =	shalt  }
0x4b: {  	_ =	shalt  }
0x4c: {  	_ =	shalt  }
0x4d: {  	_ =	shalt  }
0x4e: {  	_ =	shalt  }
0x4f: {  	_ =	shalt  }
0x50: {  	_ =	shalt  }
0x51: {  	_ =	shalt  }
0x52: {  	_ =	shalt  }
0x53: {  	_ =	shalt  }
0x54: {  	_ =	shalt  }
0x55: {  	_ =	shalt  }
0x56: {  	_ =	shalt  }
0x57: {  	_ =	shalt  }
0x58: {  	_ =	shalt  }
0x59: {  	_ =	shalt  }
0x5a: {  	_ =	shalt  }
0x5b: {  	_ =	shalt  }
0x5c: {  	_ =	shalt  }
0x5d: {  	_ =	shalt  }
0x5e: {  	_ =	shalt  }
0x5f: {  	_ =	shalt  }
0x60: {  	_ =	shalt  }
0x61: {  	_ =	shalt  }
0x62: {  	_ =	shalt  }
0x63: {  	_ =	shalt  }
0x64: {  	_ =	shalt  }
0x65: {  	_ =	shalt  }
0x66: {  	_ =	shalt  }
0x67: {  	_ =	shalt  }
0x68: {  	_ =	shalt  }
0x69: {  	_ =	shalt  }
0x6a: {  	_ =	shalt  }
0x6b: {  	_ =	shalt  }
0x6c: {  	_ =	shalt  }
0x6d: {  	_ =	shalt  }
0x6e: {  	_ =	shalt  }
0x6f: {  	_ =	shalt  }
0x70: {  	_ =	shalt  }
0x71: {  	_ =	shalt  }
0x72: {  	_ =	shalt  }
0x73: {  	_ =	shalt  }
0x74: {  	_ =	shalt  }
0x75: {  	_ =	shalt  }
0x76: {  	_ =	shalt  }
0x77: {  	_ =	shalt  }
0x78: {  	_ =	shalt  }
0x79: {  	_ =	shalt  }
0x7a: {  	_ =	shalt  }
0x7b: {  	_ =	shalt  }
0x7c: {  	_ =	shalt  }
0x7d: {  	_ =	shalt  }
0x7e: {  	_ =	shalt  }
0x7f: {  	_ =	shalt  }
0x80: {  	_ =	shalt  }
0x81: {  	_ =	shalt  }
0x82: {  	_ =	shalt  }
0x83: {  	_ =	shalt  }
0x84: {  	_ =	shalt  }
0x85: {  	_ =	shalt  }
0x86: {  	_ =	shalt  }
0x87: {  	_ =	shalt  }
.Lfunc_end0:
.L_simem_size_0:
called_computation_lowered:
.L_overlay_start_0:
0x88: {  	s2 =	sld [smem:$0x3FD9]  }
0x89: {  	s3 =	sld [smem:$0x3FFE];
	_ =	sdelay $0x1  }
0x8a: {  	s1 =	srdreg.scid  }
0x8b: {  	s0 =	sand.u32 $0x1, s1  }
0x8c: {  	s15 =	sshll.u32 s0, $0xA;
	s2 =	sadd.s32 s3, s2  }
0x8d: {  	s2 =	sadd.s32 s2, s15  }
0x8e: {  	[smem:$0x3FC4] =	sst s2  }
0x8f: {  	_ = 	snop  }
0x90: {  	s2 =	sld [smem:$0x3FC9]  }
0x91: {  	s16 =	sld [smem:$0x3FD0]  }
0x92: {  	s4 =	sld [smem:$0x3FC8]  }
0x93: {  	s5 =	sld [smem:$0x3FC7]  }
0x94: {  	s7 =	simm.s32 $0xA;
	s8 =	simm.s32 $0x10;
	s6 =	sld [smem:$0x3FC6]  }
0x95: {  	[smem:s8], [sflag:s7] =	dma.local [hbm:s16], $0x1  }
0x96: {  	_ =	swait.eq [sflag:s7], $0x1  }
0x97: {  	[sflag:s7] =	ssyncset.done $0x0  }
0x98: {  	s17 =	sld [smem:$0x10];
	[sflag:s7] =	ssyncadd.s32 $0xFFFFFFFF  }
0x99: {  	s18 =	sld [smem:$0x11];
	(tm) =	ssettm $0x1  }
0x9a: {  	s19 =	sld [smem:$0x3FFB];
	_ =	sdelay $0x3  }
0x9b: {  	_ =	strace s19  }
0x9c: {  	s8 =	sld [smem:$0x3FFC];
	_ =	sdelay $0x3  }
0x9d: {  	_ =	strace s8  }
0x9e: {  	s8 =	sld [smem:$0x3FFD];
	_ =	sdelay $0x3  }
0x9f: {  	_ =	strace s8  }
0xa0: {  	_ =	strace $0x8FFFFFFF  }
0xa1: {  	s20 =	sld [smem:$0x3FDB];
	_ =	sdelay $0x1  }
0xa2: {  	s9 =	simm.s32 $_scs_section_size  }
0xa3: {  	s10 =	simm.s32 $_size__tile_overlayer_lowered;
	s11 =	simm.s32 $_tile_overlayer_lowered  }
0xa4: {  	s23 =	simm.s32 $0x1BFF;
	s22 =	sshll.u32 s11, $0x1;
	s8 =	sadd.s32 s9, s20  }
0xa5: {  	s12 =	simm.s32 $0x0;
	s21 =	sshll.u32 s10, $0x1;
	s10 =	sadd.s32 s22, s8  }
0xa6: {  	[timem:s12], [sflag:s23] =	dma.local [hbm:s10], s21  }
0xa7: {  	_ =	swait.ge [sflag:s23], s21  }
0xa8: {  	s9 =	ssub.s32 $0x0, s21;
	[sflag:s23] =	ssyncset.done $0x0  }
0xa9: {  	[sflag:s23] =	ssyncadd.s32 s9;
	_ =	sdelay $0x1  }
0xaa: {  	s24 =	simm.s32 $0x1B8B  }
0xab: {  	_ =	swait.ge [sflag:s24], $0x1  }
0xac: {  	[sflag:s24] =	ssyncset.done $0x0  }
0xad: {  	s25 =	simm.s32 $0x1B8E;
	[sflag:s24] =	ssyncadd.s32 $0xFFFFFFFF  }
0xae: {  	s26 =	simm.s32 $execute0_lowered;
	[smem:$0x3FD2] =	sst s25  }
0xaf: {  	s9 =	sshll.u32 s26, $0x1;
	_ =	strace $0x80000046;
	[dreg:$0x1] =	wrdreg $0xFFFFFFFF  }
0xb0: {  	s28 =	simm.s32 $_size_execute0_lowered;
	s8 =	sadd.s32 s8, s9;
	[dreg:$0x0] =	wrdreg $0x0  }
0xb1: {  	s9 =	sshll.u32 s28, $0x1;
	[dreg:$0x2] =	wrdreg s8  }
0xb2: {  	[dreg:$0x3] =	wrdreg s9  }
0xb3: {  	[dreg:$0x4] =	wrdreg $0xC0  }
0xb4: {  	_ =	task [dreg:s12], $0x5FFFF  }
0xb5: {  	[dreg:$0x1] =	wrdreg $0xFFFFFFFF  }
0xb6: {  	[dreg:$0x0] =	wrdreg $0x60  }
0xb7: {  	[dreg:$0x2] =	wrdreg s2  }
0xb8: {  	[dreg:$0x3] =	wrdreg s4  }
0xb9: {  	[dreg:$0x4] =	wrdreg s5  }
0xba: {  	[dreg:$0x5] =	wrdreg s6  }
0xbb: {  	[dreg:$0x6] =	wrdreg s17  }
0xbc: {  	[dreg:$0x7] =	wrdreg s18  }
0xbd: {  	[dreg:$0x8] =	wrdreg $0x9  }
0xbe: {  	_ =	task.clear_ibuf [dreg:s12], $0x9FFFF;
	_ =	strace $0x90000046  }
0xbf: {  	s29 =	simm.s32 $0x9;
	_ =	strace $0x80000048  }
0xc0: {  	_ =	swait.ge [sflag:s29], $0x1  }
0xc1: {  	[sflag:s29] =	ssyncadd.s32 $0xFFFFFFFF  }
0xc2: {  	_ =	strace $0x90000048  }
0xc3: {  	_ =	sfence  }
0xc4: {  	s30 =	sld [smem:$0x0];
	_ =	sdelay $0x2  }
0xc5: {  	s31 =	sshll.u32 s1, $0xD;
	s1 =	sshrl.u32 s1, $0x2  }
0xc6: {  	s3 =	sand.u32 $0x4000, s31;
	s1 =	sadd.s32 s1, s30  }
0xc7: {  	s0 =	sor.u32 s3, s0;
	s1 =	sshll.u32 s1, $0x11  }
0xc8: {  	s0 =	sor.u32 s1, s0  }
0xc9: {  	s0 =	sadd.s32 $0x8F2B, s0  }
0xca: {  	[sflag:s0] =	ssyncadd.remote.s32 $0x1  }
0xcb: {  	_ =	sfence.sel $0xFFFF  }
0xcc: {  	[dreg:$0x0] =	wrdreg $0xFFFFFFFF;
	(pc) =	sbr.abs _section_cstart, $3  }
0xcd: {  	[dreg:$0x1] =	wrdreg $0xFFFFFFFF  }
0xce: {  	_ =	task.clear_ibuf [dreg:s12], $0x2FFFF;
	_ =	strace $0x9FFFFFFF  }
0xcf: {  	(tm) =	ssettm $0x7FFFFFFF  }
tec
execute0_lowered:
.L_overlay_start_1:
0x0: {  	(tag) =	ssettag $0x1  }
0x1: {  	v0 =	vimm.s32 $0x1;
	v1 =	vimm.s32 $0x2;
	v2 =	vimm.s32 $0x3  }
0x2: {  	v3 =	vimm.s32 $0x4;
	v4 =	vimm.s32 $0x5;
	v5 =	vimm.s32 $0x6  }
0x3: {  	v6 =	vimm.s32 $0x7;
	v7 =	vimm.s32 $0x8;
	v10 =	vlaneseq.u32  }
0x4: {  	s0 =	rddreg [dreg:$0x0];
	v8 =	vimm.s32 $0x9;
	v9 =	vimm.s32 $0xA;
	v11 =	vimm.s32 $0x1380  }
0x5: {  	s1 =	rddreg [dreg:$0x1];
	vm0 =	vcmask $0x300;
	v12 =	vimm.s32 $0x3380;
	vm1 =	vcmask $0x704  }
0x6: {  	s2 =	rddreg [dreg:$0x2];
	vm15 =	vcmask $0xB08;
	v11 =	vsel vm0, $0x0, v11;
	v12 =	vsel vm0, $0x2000, v12  }
0x7: {  	s3 =	rddreg [dreg:$0x3];
	vm4 =	vcmask $0xF0C;
	v11 =	vsel vm1, $0x80, v11;
	v12 =	vsel vm1, $0x2080, v12  }
0x8: {  	s7 =	rddreg [dreg:$0x4];
	vm5 =	vcmask $0x1310;
	v11 =	vsel vm15, $0x100, v11;
	v12 =	vsel vm15, $0x2100, v12  }
0x9: {  	s4 =	srdreg.scid;
	s6 =	stileid.u32;
	vm6 =	vcmask $0x1714;
	v11 =	vsel vm4, $0x180, v11;
	v12 =	vsel vm4, $0x2180, v12  }
0xa: {  	s8 =	rddreg [dreg:$0x5];
	s12 =	simm.s32 $0x17;
	vm7 =	vcmask $0x1B18;
	s14 =	simm.s32 $0x7A1400;
	v11 =	vsel vm5, $0x200, v11;
	v12 =	vsel vm5, $0x2200, v12  }
0xb: {  	s13 =	simm.s32 $0x200;
	vm8 =	vcmask $0x1F1C;
	s16 =	simm.s32 $0x14400;
	s17 =	simm.s32 $0x15400;
	v11 =	vsel vm6, $0x280, v11;
	v12 =	vsel vm6, $0x2280, v12  }
0xc: {  	vm9 =	vcmask $0x2320;
	s18 =	simm.s32 $0x16400;
	s19 =	simm.s32 $0x1A400;
	s20 =	simm.s32 $0x1000;
	v11 =	vsel vm7, $0x300, v11;
	v12 =	vsel vm7, $0x2300, v12  }
0xd: {  	vm10 =	vcmask $0x2724;
	s21 =	simm.s32 $0x20000;
	s5 =	sand.u32 $0x1, s4;
	s30 =	sshll.u32 s6, $0x1;
	v11 =	vsel vm8, $0x380, v11;
	v12 =	vsel vm8, $0x2380, v12  }
0xe: {  	vm11 =	vcmask $0x2B28;
	s22 =	simm.s32 $0x0;
	s4 =	simm.s32 $0x0;
	s6 =	sor.u32 s5, s30;
	v11 =	vsel vm9, $0x1000, v11;
	v12 =	vsel vm9, $0x3000, v12  }
0xf: {  	vm12 =	vcmask $0x2F2C;
	s5 =	ssub.s32 $0x2, s5;
	[smem:$0x7FF] =	sst s4;
	s9 =	sshll.u32 s6, $0x9;
	v11 =	vsel vm10, $0x1080, v11;
	v12 =	vsel vm10, $0x3080, v12  }
0x10: {  	vm13 =	vcmask $0x3330;
	s6 =	sshll.u32 s6, $0x7;
	s11 =	sshrl.u32 s5, $0x1;
	_ =	strace $0x80000047;
	v11 =	vsel vm11, $0x1100, v11;
	v12 =	vsel vm11, $0x3100, v12  }
0x11: {  	vm14 =	vcmask $0x3734;
	s10 =	sand.u32 $0x3000, s9;
	s6 =	sand.u32 $0x380, s6;
	s31 =	ssub.s32 s5, s11;
	v11 =	vsel vm12, $0x1180, v11;
	v12 =	vsel vm12, $0x3180, v12  }
0x12: {  	v10 =	vmul.u32 $0x80, v10;
	s7 =	sadd.s32 s7, s9;
	s8 =	sadd.s32 s8, s9;
	s6 =	sor.u32 s6, s10;
	v11 =	vsel vm13, $0x1200, v11;
	v12 =	vsel vm13, $0x3200, v12  }
0x13: {  	vm15 =	vcmask $0x3B38;
	s11 =	simm.s32 $0x400;
	s9 =	smax.u32 s31, $0x1;
	s6 =	sshrl.u32 s6, $0x3;
	v13 =	vsel vm14, $0x1280, v11;
	v14 =	vsel vm14, $0x3280, v12  }
0x14: {  	s10 =	simm.s32 $0x80;
	s5 =	sadd.s32 s2, s6;
	s6 =	sadd.s32 s3, s6;
	v11 =	vor.u32 $0x800, v10;
	v12 =	vsel vm15, $0x1300, v13;
	v13 =	vsel vm15, $0x3300, v14  }
.LBB2_1:
0x15: {  	[tilespmem:s4], [sflag:$0x17] =	stream.strided.gather [hbm4b:s5+s10], $0x200, s11, s10, $0x38;
	[tilespmem:$0x1E400] =	vst v63  }
0x16: {  	_ =	swait.ge [sflag:s12], $0x200  }
0x17: {  	[sflag:s12] =	ssyncset.done $0x0  }
0x18: {  	[sflag:s12] =	ssyncadd.s32 $0xFFFFFE00  }
0x19: {  	[tilespmem:s13], [sflag:$0x17] =	stream.strided.gather [hbm4b:s6+s10], $0x200, s11, s10, $0x38;
	[tilespmem:$0x1E400] =	vst v63  }
0x1a: {  	_ =	swait.ge [sflag:s12], $0x200  }
0x1b: {  	[sflag:s12] =	ssyncset.done $0x0  }
0x1c: {  	[sflag:s12] =	ssyncadd.s32 $0xFFFFFE00  }
0x1d: {  	v14 =	vld.msk [tilespmem:s4+$0x0], $0xffff;
	_ =	sdelay $0x4  }
0x1e: {  	(v2sf) =	vpush v14, $0x0;
	_ =	sdelay $0xe  }
0x1f: {  	s3 =	spop (v2sf)  }
0x20: {  	s23 =	sand.u32 $0x7F, s3  }
0x21: {  	s24 =	sshra.s32 s3, $0x1F;
	p0 =	slt.s32 s3, $0x1;
	p1 =	sne.s32 s23, $0x0  }
0x22: {  	s24 =	sshrl.u32 s24, $0x19;
	p0 =	por !p0, !p1  }
0x23: {  	s23 =	simm.s32 $0x1;
	s3 =	sadd.s32 s24, s3;
	p0 =	por !p0, !p0  }
0x24: {  	s3 =	sshrl.u32 s3, $0x7;
	s23 =	simm.s32 @!p0 $0x0  }
0x25: {  	s3 =	ssub.s32 s3, s23  }
0x26: {  	s3 =	sshll.u32 s3, $0x7  }
0x27: {  	s3 =	sand.u32 $0x1FFFFF80, s3  }
0x28: {  	s3 =	sadd.s32 s0, s3  }
0x29: {  	[tilespmem:s11], [sflag:$0x1] =	stream.strided.gather [hbm4b:s3+s11], $0x1000, s14, s11, $0x38;
	[tilespmem:$0x1E400] =	vst v63  }
0x2a: {  	v14 =	vld.msk [tilespmem:s13+$0x0], $0xffff;
	_ =	sdelay $0x4  }
0x2b: {  	(v2sf) =	vpush v14, $0x0;
	_ =	sdelay $0xe  }
0x2c: {  	s25 =	spop (v2sf)  }
0x2d: {  	s26 =	sand.u32 $0x7F, s25  }
0x2e: {  	s29 =	sshra.s32 s25, $0x1F;
	p1 =	slt.s32 s25, $0x1;
	p2 =	sne.s32 s26, $0x0  }
0x2f: {  	s2 =	sshrl.u32 s29, $0x19;
	p0 =	por !p1, !p2  }
0x30: {  	s23 =	simm.s32 $0x1;
	s3 =	sadd.s32 s2, s25;
	p0 =	por !p0, !p0  }
0x31: {  	s3 =	sshrl.u32 s3, $0x7;
	s23 =	simm.s32 @!p0 $0x0  }
0x32: {  	s3 =	ssub.s32 s3, s23  }
0x33: {  	s3 =	sshll.u32 s3, $0x7  }
0x34: {  	s3 =	sand.u32 $0x1FFFFF80, s3  }
0x35: {  	s2 =	simm.s32 $0x1400;
	s3 =	sadd.s32 s1, s3  }
0x36: {  	[tilespmem:s2], [sflag:$0x2] =	stream.strided.gather [hbm4b:s3+s11], $0x1000, s14, s11, $0x38;
	[tilespmem:$0x1E400] =	vst v63  }
0x37: {  	v14 =	vld.idx.msk [tilespmem:v0+s4+$0x0], $0xffff;
	_ =	sdelay $0x4  }
0x38: {  	(v2sf) =	vpush v14, $0x0;
	_ =	sdelay $0xe  }
0x39: {  	s15 =	spop (v2sf)  }
0x3a: {  	s24 =	sand.u32 $0x7F, s15  }
0x3b: {  	s25 =	sshra.s32 s15, $0x1F;
	p3 =	slt.s32 s15, $0x1;
	p4 =	sne.s32 s24, $0x0  }
0x3c: {  	s26 =	sshrl.u32 s25, $0x19;
	p0 =	por !p3, !p4  }
0x3d: {  	s23 =	simm.s32 $0x1;
	s3 =	sadd.s32 s26, s15;
	p0 =	por !p0, !p0  }
0x3e: {  	s3 =	sshrl.u32 s3, $0x7;
	s23 =	simm.s32 @!p0 $0x0  }
0x3f: {  	s3 =	ssub.s32 s3, s23  }
0x40: {  	s3 =	sshll.u32 s3, $0x7  }
0x41: {  	s3 =	sand.u32 $0x1FFFFF80, s3  }
0x42: {  	s29 =	simm.s32 $0x2400;
	s3 =	sadd.s32 s0, s3  }
0x43: {  	[tilespmem:s29], [sflag:$0x3] =	stream.strided.gather [hbm4b:s3+s11], $0x1000, s14, s11, $0x38;
	[tilespmem:$0x1E400] =	vst v63  }
0x44: {  	v14 =	vld.idx.msk [tilespmem:v0+s13+$0x0], $0xffff;
	_ =	sdelay $0x4  }
0x45: {  	(v2sf) =	vpush v14, $0x0;
	_ =	sdelay $0xe  }
0x46: {  	s15 =	spop (v2sf)  }
0x47: {  	s24 =	sand.u32 $0x7F, s15  }
0x48: {  	s25 =	sshra.s32 s15, $0x1F;
	p5 =	slt.s32 s15, $0x1;
	p6 =	sne.s32 s24, $0x0  }
0x49: {  	s26 =	sshrl.u32 s25, $0x19;
	p0 =	por !p5, !p6  }
0x4a: {  	s23 =	simm.s32 $0x1;
	s3 =	sadd.s32 s26, s15;
	p0 =	por !p0, !p0  }
0x4b: {  	s3 =	sshrl.u32 s3, $0x7;
	s23 =	simm.s32 @!p0 $0x0  }
0x4c: {  	s3 =	ssub.s32 s3, s23  }
0x4d: {  	s3 =	sshll.u32 s3, $0x7  }
0x4e: {  	s3 =	sand.u32 $0x1FFFFF80, s3  }
0x4f: {  	s29 =	simm.s32 $0x3400;
	s3 =	sadd.s32 s1, s3  }
0x50: {  	[tilespmem:s29], [sflag:$0x4] =	stream.strided.gather [hbm4b:s3+s11], $0x1000, s14, s11, $0x38;
	[tilespmem:$0x1E400] =	vst v63  }
0x51: {  	v14 =	vld.idx.msk [tilespmem:v1+s4+$0x0], $0xffff;
	_ =	sdelay $0x4  }
0x52: {  	(v2sf) =	vpush v14, $0x0;
	_ =	sdelay $0xe  }
0x53: {  	s15 =	spop (v2sf)  }
0x54: {  	s24 =	sand.u32 $0x7F, s15  }
0x55: {  	s25 =	sshra.s32 s15, $0x1F;
	p1 =	slt.s32 s15, $0x1;
	p2 =	sne.s32 s24, $0x0  }
0x56: {  	s26 =	sshrl.u32 s25, $0x19;
	p0 =	por !p1, !p2  }
0x57: {  	s23 =	simm.s32 $0x1;
	s3 =	sadd.s32 s26, s15;
	p0 =	por !p0, !p0  }
0x58: {  	s3 =	sshrl.u32 s3, $0x7;
	s23 =	simm.s32 @!p0 $0x0  }
0x59: {  	s3 =	ssub.s32 s3, s23  }
0x5a: {  	s3 =	sshll.u32 s3, $0x7  }
0x5b: {  	s3 =	sand.u32 $0x1FFFFF80, s3  }
0x5c: {  	s29 =	simm.s32 $0x4400;
	s3 =	sadd.s32 s0, s3  }
0x5d: {  	[tilespmem:s29], [sflag:$0x5] =	stream.strided.gather [hbm4b:s3+s11], $0x1000, s14, s11, $0x38;
	[tilespmem:$0x1E400] =	vst v63  }
0x5e: {  	v14 =	vld.idx.msk [tilespmem:v1+s13+$0x0], $0xffff;
	_ =	sdelay $0x4  }
0x5f: {  	(v2sf) =	vpush v14, $0x0;
	_ =	sdelay $0xe  }
0x60: {  	s15 =	spop (v2sf)  }
0x61: {  	s24 =	sand.u32 $0x7F, s15  }
0x62: {  	s25 =	sshra.s32 s15, $0x1F;
	p3 =	slt.s32 s15, $0x1;
	p4 =	sne.s32 s24, $0x0  }
0x63: {  	s26 =	sshrl.u32 s25, $0x19;
	p0 =	por !p3, !p4  }
0x64: {  	s23 =	simm.s32 $0x1;
	s3 =	sadd.s32 s26, s15;
	p0 =	por !p0, !p0  }
0x65: {  	s3 =	sshrl.u32 s3, $0x7;
	s23 =	simm.s32 @!p0 $0x0  }
0x66: {  	s3 =	ssub.s32 s3, s23  }
0x67: {  	s3 =	sshll.u32 s3, $0x7  }
0x68: {  	s3 =	sand.u32 $0x1FFFFF80, s3  }
0x69: {  	s29 =	simm.s32 $0x5400;
	s3 =	sadd.s32 s1, s3  }
0x6a: {  	[tilespmem:s29], [sflag:$0x6] =	stream.strided.gather [hbm4b:s3+s11], $0x1000, s14, s11, $0x38;
	[tilespmem:$0x1E400] =	vst v63  }
0x6b: {  	v14 =	vld.idx.msk [tilespmem:v2+s4+$0x0], $0xffff;
	_ =	sdelay $0x4  }
0x6c: {  	(v2sf) =	vpush v14, $0x0;
	_ =	sdelay $0xe  }
0x6d: {  	s15 =	spop (v2sf)  }
0x6e: {  	s24 =	sand.u32 $0x7F, s15  }
0x6f: {  	s25 =	sshra.s32 s15, $0x1F;
	p5 =	slt.s32 s15, $0x1;
	p6 =	sne.s32 s24, $0x0  }
0x70: {  	s26 =	sshrl.u32 s25, $0x19;
	p0 =	por !p5, !p6  }
0x71: {  	s23 =	simm.s32 $0x1;
	s3 =	sadd.s32 s26, s15;
	p0 =	por !p0, !p0  }
0x72: {  	s3 =	sshrl.u32 s3, $0x7;
	s23 =	simm.s32 @!p0 $0x0  }
0x73: {  	s3 =	ssub.s32 s3, s23  }
0x74: {  	s3 =	sshll.u32 s3, $0x7  }
0x75: {  	s3 =	sand.u32 $0x1FFFFF80, s3  }
0x76: {  	s29 =	simm.s32 $0x6400;
	s3 =	sadd.s32 s0, s3  }
0x77: {  	[tilespmem:s29], [sflag:$0x7] =	stream.strided.gather [hbm4b:s3+s11], $0x1000, s14, s11, $0x38;
	[tilespmem:$0x1E400] =	vst v63  }
0x78: {  	v14 =	vld.idx.msk [tilespmem:v2+s13+$0x0], $0xffff;
	_ =	sdelay $0x4  }
0x79: {  	(v2sf) =	vpush v14, $0x0;
	_ =	sdelay $0xe  }
0x7a: {  	s15 =	spop (v2sf)  }
0x7b: {  	s24 =	sand.u32 $0x7F, s15  }
0x7c: {  	s25 =	sshra.s32 s15, $0x1F;
	p1 =	slt.s32 s15, $0x1;
	p2 =	sne.s32 s24, $0x0  }
0x7d: {  	s26 =	sshrl.u32 s25, $0x19;
	p0 =	por !p1, !p2  }
0x7e: {  	s23 =	simm.s32 $0x1;
	s3 =	sadd.s32 s26, s15;
	p0 =	por !p0, !p0  }
0x7f: {  	s3 =	sshrl.u32 s3, $0x7;
	s23 =	simm.s32 @!p0 $0x0  }
0x80: {  	s3 =	ssub.s32 s3, s23  }
0x81: {  	s3 =	sshll.u32 s3, $0x7  }
0x82: {  	s3 =	sand.u32 $0x1FFFFF80, s3  }
0x83: {  	s29 =	simm.s32 $0x7400;
	s3 =	sadd.s32 s1, s3  }
0x84: {  	[tilespmem:s29], [sflag:$0x8] =	stream.strided.gather [hbm4b:s3+s11], $0x1000, s14, s11, $0x38;
	[tilespmem:$0x1E400] =	vst v63  }
0x85: {  	v14 =	vld.idx.msk [tilespmem:v3+s4+$0x0], $0xffff;
	_ =	sdelay $0x4  }
0x86: {  	(v2sf) =	vpush v14, $0x0;
	_ =	sdelay $0xe  }
0x87: {  	s15 =	spop (v2sf)  }
0x88: {  	s24 =	sand.u32 $0x7F, s15  }
0x89: {  	s25 =	sshra.s32 s15, $0x1F;
	p3 =	slt.s32 s15, $0x1;
	p4 =	sne.s32 s24, $0x0  }
0x8a: {  	s26 =	sshrl.u32 s25, $0x19;
	p0 =	por !p3, !p4  }
0x8b: {  	s23 =	simm.s32 $0x1;
	s3 =	sadd.s32 s26, s15;
	p0 =	por !p0, !p0  }
0x8c: {  	s3 =	sshrl.u32 s3, $0x7;
	s23 =	simm.s32 @!p0 $0x0  }
0x8d: {  	s3 =	ssub.s32 s3, s23  }
0x8e: {  	s3 =	sshll.u32 s3, $0x7  }
0x8f: {  	s3 =	sand.u32 $0x1FFFFF80, s3  }
0x90: {  	s29 =	simm.s32 $0x8400;
	s3 =	sadd.s32 s0, s3  }
0x91: {  	[tilespmem:s29], [sflag:$0x9] =	stream.strided.gather [hbm4b:s3+s11], $0x1000, s14, s11, $0x38;
	[tilespmem:$0x1E400] =	vst v63  }
0x92: {  	v14 =	vld.idx.msk [tilespmem:v3+s13+$0x0], $0xffff;
	_ =	sdelay $0x4  }
0x93: {  	(v2sf) =	vpush v14, $0x0;
	_ =	sdelay $0xe  }
0x94: {  	s15 =	spop (v2sf)  }
0x95: {  	s24 =	sand.u32 $0x7F, s15  }
0x96: {  	s25 =	sshra.s32 s15, $0x1F;
	p5 =	slt.s32 s15, $0x1;
	p6 =	sne.s32 s24, $0x0  }
0x97: {  	s26 =	sshrl.u32 s25, $0x19;
	p0 =	por !p5, !p6  }
0x98: {  	s23 =	simm.s32 $0x1;
	s3 =	sadd.s32 s26, s15;
	p0 =	por !p0, !p0  }
0x99: {  	s3 =	sshrl.u32 s3, $0x7;
	s23 =	simm.s32 @!p0 $0x0  }
0x9a: {  	s3 =	ssub.s32 s3, s23  }
0x9b: {  	s3 =	sshll.u32 s3, $0x7  }
0x9c: {  	s3 =	sand.u32 $0x1FFFFF80, s3  }
0x9d: {  	s29 =	simm.s32 $0x9400;
	s3 =	sadd.s32 s1, s3  }
0x9e: {  	[tilespmem:s29], [sflag:$0xA] =	stream.strided.gather [hbm4b:s3+s11], $0x1000, s14, s11, $0x38;
	[tilespmem:$0x1E400] =	vst v63  }
0x9f: {  	v14 =	vld.idx.msk [tilespmem:v4+s4+$0x0], $0xffff;
	_ =	sdelay $0x4  }
0xa0: {  	(v2sf) =	vpush v14, $0x0;
	_ =	sdelay $0xe  }
0xa1: {  	s15 =	spop (v2sf)  }
0xa2: {  	s24 =	sand.u32 $0x7F, s15  }
0xa3: {  	s25 =	sshra.s32 s15, $0x1F;
	p1 =	slt.s32 s15, $0x1;
	p2 =	sne.s32 s24, $0x0  }
0xa4: {  	s26 =	sshrl.u32 s25, $0x19;
	p0 =	por !p1, !p2  }
0xa5: {  	s23 =	simm.s32 $0x1;
	s3 =	sadd.s32 s26, s15;
	p0 =	por !p0, !p0  }
0xa6: {  	s3 =	sshrl.u32 s3, $0x7;
	s23 =	simm.s32 @!p0 $0x0  }
0xa7: {  	s3 =	ssub.s32 s3, s23  }
0xa8: {  	s3 =	sshll.u32 s3, $0x7  }
0xa9: {  	s3 =	sand.u32 $0x1FFFFF80, s3  }
0xaa: {  	s29 =	simm.s32 $0xA400;
	s3 =	sadd.s32 s0, s3  }
0xab: {  	[tilespmem:s29], [sflag:$0xB] =	stream.strided.gather [hbm4b:s3+s11], $0x1000, s14, s11, $0x38;
	[tilespmem:$0x1E400] =	vst v63  }
0xac: {  	v14 =	vld.idx.msk [tilespmem:v4+s13+$0x0], $0xffff;
	_ =	sdelay $0x4  }
0xad: {  	(v2sf) =	vpush v14, $0x0;
	_ =	sdelay $0xe  }
0xae: {  	s15 =	spop (v2sf)  }
0xaf: {  	s24 =	sand.u32 $0x7F, s15  }
0xb0: {  	s25 =	sshra.s32 s15, $0x1F;
	p3 =	slt.s32 s15, $0x1;
	p4 =	sne.s32 s24, $0x0  }
0xb1: {  	s26 =	sshrl.u32 s25, $0x19;
	p0 =	por !p3, !p4  }
0xb2: {  	s23 =	simm.s32 $0x1;
	s3 =	sadd.s32 s26, s15;
	p0 =	por !p0, !p0  }
0xb3: {  	s3 =	sshrl.u32 s3, $0x7;
	s23 =	simm.s32 @!p0 $0x0  }
0xb4: {  	s3 =	ssub.s32 s3, s23  }
0xb5: {  	s3 =	sshll.u32 s3, $0x7  }
0xb6: {  	s3 =	sand.u32 $0x1FFFFF80, s3  }
0xb7: {  	s29 =	simm.s32 $0xB400;
	s3 =	sadd.s32 s1, s3  }
0xb8: {  	[tilespmem:s29], [sflag:$0xC] =	stream.strided.gather [hbm4b:s3+s11], $0x1000, s14, s11, $0x38;
	[tilespmem:$0x1E400] =	vst v63  }
0xb9: {  	v14 =	vld.idx.msk [tilespmem:v5+s4+$0x0], $0xffff;
	_ =	sdelay $0x4  }
0xba: {  	(v2sf) =	vpush v14, $0x0;
	_ =	sdelay $0xe  }
0xbb: {  	s15 =	spop (v2sf)  }
0xbc: {  	s24 =	sand.u32 $0x7F, s15  }
0xbd: {  	s25 =	sshra.s32 s15, $0x1F;
	p5 =	slt.s32 s15, $0x1;
	p6 =	sne.s32 s24, $0x0  }
0xbe: {  	s26 =	sshrl.u32 s25, $0x19;
	p0 =	por !p5, !p6  }
0xbf: {  	s23 =	simm.s32 $0x1;
	s3 =	sadd.s32 s26, s15;
	p0 =	por !p0, !p0  }
0xc0: {  	s3 =	sshrl.u32 s3, $0x7;
	s23 =	simm.s32 @!p0 $0x0  }
0xc1: {  	s3 =	ssub.s32 s3, s23  }
0xc2: {  	s3 =	sshll.u32 s3, $0x7  }
0xc3: {  	s3 =	sand.u32 $0x1FFFFF80, s3  }
0xc4: {  	s29 =	simm.s32 $0xC400;
	s3 =	sadd.s32 s0, s3  }
0xc5: {  	[tilespmem:s29], [sflag:$0xD] =	stream.strided.gather [hbm4b:s3+s11], $0x1000, s14, s11, $0x38;
	[tilespmem:$0x1E400] =	vst v63  }
0xc6: {  	v14 =	vld.idx.msk [tilespmem:v5+s13+$0x0], $0xffff;
	_ =	sdelay $0x4  }
0xc7: {  	(v2sf) =	vpush v14, $0x0;
	_ =	sdelay $0xe  }
0xc8: {  	s15 =	spop (v2sf)  }
0xc9: {  	s24 =	sand.u32 $0x7F, s15  }
0xca: {  	s25 =	sshra.s32 s15, $0x1F;
	p1 =	slt.s32 s15, $0x1;
	p2 =	sne.s32 s24, $0x0  }
0xcb: {  	s26 =	sshrl.u32 s25, $0x19;
	p0 =	por !p1, !p2  }
0xcc: {  	s23 =	simm.s32 $0x1;
	s3 =	sadd.s32 s26, s15;
	p0 =	por !p0, !p0  }
0xcd: {  	s3 =	sshrl.u32 s3, $0x7;
	s23 =	simm.s32 @!p0 $0x0  }
0xce: {  	s3 =	ssub.s32 s3, s23  }
0xcf: {  	s3 =	sshll.u32 s3, $0x7  }
0xd0: {  	s3 =	sand.u32 $0x1FFFFF80, s3  }
0xd1: {  	s29 =	simm.s32 $0xD400;
	s3 =	sadd.s32 s1, s3  }
0xd2: {  	[tilespmem:s29], [sflag:$0xE] =	stream.strided.gather [hbm4b:s3+s11], $0x1000, s14, s11, $0x38;
	[tilespmem:$0x1E400] =	vst v63  }
0xd3: {  	v14 =	vld.idx.msk [tilespmem:v6+s4+$0x0], $0xffff;
	_ =	sdelay $0x4  }
0xd4: {  	(v2sf) =	vpush v14, $0x0;
	_ =	sdelay $0xe  }
0xd5: {  	s15 =	spop (v2sf)  }
0xd6: {  	s24 =	sand.u32 $0x7F, s15  }
0xd7: {  	s25 =	sshra.s32 s15, $0x1F;
	p3 =	slt.s32 s15, $0x1;
	p4 =	sne.s32 s24, $0x0  }
0xd8: {  	s26 =	sshrl.u32 s25, $0x19;
	p0 =	por !p3, !p4  }
0xd9: {  	s23 =	simm.s32 $0x1;
	s3 =	sadd.s32 s26, s15;
	p0 =	por !p0, !p0  }
0xda: {  	s3 =	sshrl.u32 s3, $0x7;
	s23 =	simm.s32 @!p0 $0x0  }
0xdb: {  	s3 =	ssub.s32 s3, s23  }
0xdc: {  	s3 =	sshll.u32 s3, $0x7  }
0xdd: {  	s3 =	sand.u32 $0x1FFFFF80, s3  }
0xde: {  	s29 =	simm.s32 $0xE400;
	s3 =	sadd.s32 s0, s3  }
0xdf: {  	[tilespmem:s29], [sflag:$0xF] =	stream.strided.gather [hbm4b:s3+s11], $0x1000, s14, s11, $0x38;
	[tilespmem:$0x1E400] =	vst v63  }
0xe0: {  	v14 =	vld.idx.msk [tilespmem:v6+s13+$0x0], $0xffff;
	_ =	sdelay $0x4  }
0xe1: {  	(v2sf) =	vpush v14, $0x0;
	_ =	sdelay $0xe  }
0xe2: {  	s15 =	spop (v2sf)  }
0xe3: {  	s24 =	sand.u32 $0x7F, s15  }
0xe4: {  	s25 =	sshra.s32 s15, $0x1F;
	p5 =	slt.s32 s15, $0x1;
	p6 =	sne.s32 s24, $0x0  }
0xe5: {  	s26 =	sshrl.u32 s25, $0x19;
	p0 =	por !p5, !p6  }
0xe6: {  	s23 =	simm.s32 $0x1;
	s3 =	sadd.s32 s26, s15;
	p0 =	por !p0, !p0  }
0xe7: {  	s3 =	sshrl.u32 s3, $0x7;
	s23 =	simm.s32 @!p0 $0x0  }
0xe8: {  	s3 =	ssub.s32 s3, s23  }
0xe9: {  	s3 =	sshll.u32 s3, $0x7  }
0xea: {  	s3 =	sand.u32 $0x1FFFFF80, s3  }
0xeb: {  	s29 =	simm.s32 $0xF400;
	s3 =	sadd.s32 s1, s3  }
0xec: {  	[tilespmem:s29], [sflag:$0x10] =	stream.strided.gather [hbm4b:s3+s11], $0x1000, s14, s11, $0x38;
	[tilespmem:$0x1E400] =	vst v63  }
0xed: {  	v14 =	vld.idx.msk [tilespmem:v7+s4+$0x0], $0xffff;
	_ =	sdelay $0x4  }
0xee: {  	(v2sf) =	vpush v14, $0x0;
	_ =	sdelay $0xe  }
0xef: {  	s15 =	spop (v2sf)  }
0xf0: {  	s24 =	sand.u32 $0x7F, s15  }
0xf1: {  	s25 =	sshra.s32 s15, $0x1F;
	p1 =	slt.s32 s15, $0x1;
	p2 =	sne.s32 s24, $0x0  }
0xf2: {  	s26 =	sshrl.u32 s25, $0x19;
	p0 =	por !p1, !p2  }
0xf3: {  	s23 =	simm.s32 $0x1;
	s3 =	sadd.s32 s26, s15;
	p0 =	por !p0, !p0  }
0xf4: {  	s3 =	sshrl.u32 s3, $0x7;
	s23 =	simm.s32 @!p0 $0x0  }
0xf5: {  	s3 =	ssub.s32 s3, s23  }
0xf6: {  	s3 =	sshll.u32 s3, $0x7  }
0xf7: {  	s3 =	sand.u32 $0x1FFFFF80, s3  }
0xf8: {  	s29 =	simm.s32 $0x10400;
	s3 =	sadd.s32 s0, s3  }
0xf9: {  	[tilespmem:s29], [sflag:$0x11] =	stream.strided.gather [hbm4b:s3+s11], $0x1000, s14, s11, $0x38;
	[tilespmem:$0x1E400] =	vst v63  }
0xfa: {  	v14 =	vld.idx.msk [tilespmem:v7+s13+$0x0], $0xffff;
	_ =	sdelay $0x4  }
0xfb: {  	(v2sf) =	vpush v14, $0x0;
	_ =	sdelay $0xe  }
0xfc: {  	s15 =	spop (v2sf)  }
0xfd: {  	s24 =	sand.u32 $0x7F, s15  }
0xfe: {  	s25 =	sshra.s32 s15, $0x1F;
	p3 =	slt.s32 s15, $0x1;
	p4 =	sne.s32 s24, $0x0  }
0xff: {  	s26 =	sshrl.u32 s25, $0x19;
	p0 =	por !p3, !p4  }
0x100: {  	s23 =	simm.s32 $0x1;
	s3 =	sadd.s32 s26, s15;
	p0 =	por !p0, !p0  }
0x101: {  	s3 =	sshrl.u32 s3, $0x7;
	s23 =	simm.s32 @!p0 $0x0  }
0x102: {  	s3 =	ssub.s32 s3, s23  }
0x103: {  	s3 =	sshll.u32 s3, $0x7  }
0x104: {  	s3 =	sand.u32 $0x1FFFFF80, s3  }
0x105: {  	s29 =	simm.s32 $0x11400;
	s3 =	sadd.s32 s1, s3  }
0x106: {  	[tilespmem:s29], [sflag:$0x12] =	stream.strided.gather [hbm4b:s3+s11], $0x1000, s14, s11, $0x38;
	[tilespmem:$0x1E400] =	vst v63  }
0x107: {  	v14 =	vld.idx.msk [tilespmem:v8+s4+$0x0], $0xffff;
	_ =	sdelay $0x4  }
0x108: {  	(v2sf) =	vpush v14, $0x0;
	_ =	sdelay $0xe  }
0x109: {  	s15 =	spop (v2sf)  }
0x10a: {  	s24 =	sand.u32 $0x7F, s15  }
0x10b: {  	s25 =	sshra.s32 s15, $0x1F;
	p5 =	slt.s32 s15, $0x1;
	p6 =	sne.s32 s24, $0x0  }
0x10c: {  	s26 =	sshrl.u32 s25, $0x19;
	p0 =	por !p5, !p6  }
0x10d: {  	s23 =	simm.s32 $0x1;
	s3 =	sadd.s32 s26, s15;
	p0 =	por !p0, !p0  }
0x10e: {  	s3 =	sshrl.u32 s3, $0x7;
	s23 =	simm.s32 @!p0 $0x0  }
0x10f: {  	s3 =	ssub.s32 s3, s23  }
0x110: {  	s3 =	sshll.u32 s3, $0x7  }
0x111: {  	s3 =	sand.u32 $0x1FFFFF80, s3  }
0x112: {  	s29 =	simm.s32 $0x12400;
	s3 =	sadd.s32 s0, s3  }
0x113: {  	[tilespmem:s29], [sflag:$0x13] =	stream.strided.gather [hbm4b:s3+s11], $0x1000, s14, s11, $0x38;
	[tilespmem:$0x1E400] =	vst v63  }
0x114: {  	v14 =	vld.idx.msk [tilespmem:v8+s13+$0x0], $0xffff;
	_ =	sdelay $0x4  }
0x115: {  	(v2sf) =	vpush v14, $0x0;
	_ =	sdelay $0xe  }
0x116: {  	s15 =	spop (v2sf)  }
0x117: {  	s24 =	sand.u32 $0x7F, s15  }
0x118: {  	s25 =	sshra.s32 s15, $0x1F;
	p1 =	slt.s32 s15, $0x1;
	p2 =	sne.s32 s24, $0x0  }
0x119: {  	s26 =	sshrl.u32 s25, $0x19;
	p0 =	por !p1, !p2  }
0x11a: {  	s23 =	simm.s32 $0x1;
	s3 =	sadd.s32 s26, s15;
	p0 =	por !p0, !p0  }
0x11b: {  	s3 =	sshrl.u32 s3, $0x7;
	s23 =	simm.s32 @!p0 $0x0  }
0x11c: {  	s3 =	ssub.s32 s3, s23  }
0x11d: {  	s3 =	sshll.u32 s3, $0x7  }
0x11e: {  	s3 =	sand.u32 $0x1FFFFF80, s3  }
0x11f: {  	s29 =	simm.s32 $0x13400;
	s3 =	sadd.s32 s1, s3  }
0x120: {  	[tilespmem:s29], [sflag:$0x14] =	stream.strided.gather [hbm4b:s3+s11], $0x1000, s14, s11, $0x38;
	[tilespmem:$0x1E400] =	vst v63  }
0x121: {  	v14 =	vld.idx.msk [tilespmem:v9+s4+$0x0], $0xffff;
	_ =	sdelay $0x4  }
0x122: {  	(v2sf) =	vpush v14, $0x0;
	_ =	sdelay $0xe  }
0x123: {  	s15 =	spop (v2sf)  }
0x124: {  	s24 =	sand.u32 $0x7F, s15  }
0x125: {  	s25 =	sshra.s32 s15, $0x1F;
	p3 =	slt.s32 s15, $0x1;
	p4 =	sne.s32 s24, $0x0  }
0x126: {  	s26 =	sshrl.u32 s25, $0x19;
	p0 =	por !p3, !p4  }
0x127: {  	s23 =	simm.s32 $0x1;
	s3 =	sadd.s32 s26, s15;
	p0 =	por !p0, !p0  }
0x128: {  	s3 =	sshrl.u32 s3, $0x7;
	s23 =	simm.s32 @!p0 $0x0  }
0x129: {  	s3 =	ssub.s32 s3, s23  }
0x12a: {  	s3 =	sshll.u32 s3, $0x7  }
0x12b: {  	s3 =	sand.u32 $0x1FFFFF80, s3  }
0x12c: {  	s3 =	sadd.s32 s0, s3  }
0x12d: {  	[tilespmem:s16], [sflag:$0x15] =	stream.strided.gather [hbm4b:s3+s11], $0x1000, s14, s11, $0x38;
	[tilespmem:$0x1E400] =	vst v63  }
0x12e: {  	v14 =	vld.idx.msk [tilespmem:v9+s13+$0x0], $0xffff;
	_ =	sdelay $0x4  }
0x12f: {  	(v2sf) =	vpush v14, $0x0;
	_ =	sdelay $0xe  }
0x130: {  	s29 =	spop (v2sf)  }
0x131: {  	s2 =	sand.u32 $0x7F, s29  }
0x132: {  	s15 =	sshra.s32 s29, $0x1F;
	p5 =	slt.s32 s29, $0x1;
	p6 =	sne.s32 s2, $0x0  }
0x133: {  	s25 =	smul.u32 $0xBA2F, s4;
	s24 =	sshrl.u32 s15, $0x19;
	p0 =	por !p5, !p6  }
0x134: {  	s23 =	simm.s32 $0x1;
	s3 =	sadd.s32 s24, s29;
	p0 =	por !p0, !p0  }
0x135: {  	s3 =	sshrl.u32 s3, $0x7;
	s23 =	simm.s32 @!p0 $0x0  }
0x136: {  	s3 =	ssub.s32 s3, s23;
	s23 =	sshrl.u32 s25, $0x13  }
0x137: {  	s3 =	sshll.u32 s3, $0x7;
	s23 =	smul.u32 $0xB, s23  }
0x138: {  	s3 =	sand.u32 $0x1FFFFF80, s3  }
0x139: {  	s3 =	sadd.s32 s1, s3;
	s26 =	ssub.s32 $0x0, s23  }
0x13a: {  	[tilespmem:s17], [sflag:$0x16] =	stream.strided.gather [hbm4b:s3+s11], $0x1000, s14, s11, $0x38;
	[tilespmem:$0x1E400] =	vst v63  }
0x13b: {  	v14 =	vmov s4;
	s23 =	sand.u32 $0xFFFF, s26  }
0x13c: {  	s25 =	sshllo.u32 s23, $0x1  }
0x13d: {  	_ =	swait.ge [sflag:s25], $0x1000  }
0x13e: {  	[sflag:s25] =	ssyncset.done $0x0  }
0x13f: {  	[sflag:s25] =	ssyncadd.s32 $0xFFFFF000  }
0x140: {  	v15 =	vld.idx.msk [tilespmem:v14+s4+$0x0], $0xffff;
	_ =	sdelay $0x4  }
0x141: {  	v16 =	vshra.s32 v15, $0x1F  }
0x142: {  	v16 =	vshrl.u32 v16, $0x19  }
0x143: {  	v16 =	vadd.s32 v16, v15  }
0x144: {  	v16 =	vshrl.u32 v16, $0x7  }
0x145: {  	v16 =	vshll.u32 v16, $0x7  }
0x146: {  	v15 =	vsub.s32 v15, v16  }
0x147: {  	s3 =	sshll.u32 s23, $0xD;
	v16 =	vand.u32 $0xFFFFFF80, v15  }
0x148: {  	v15 =	vand.u32 $0x7F, v15;
	v16 =	vadd.s32 s3, v16  }
0x149: {  	v15 =	vor.u32 v15, v16  }
0x14a: {  	v16 =	vadd.s32 v10, v15  }
0x14b: {  	v15 =	vadd.s32 v11, v15  }
0x14c: {  	v17 =	vshll.u32 v14, $0x3  }
0x14d: {  	v18 =	vand.u32 $0x7F, v14;
	v17 =	vand.u32 $0xC00, v17  }
0x14e: {  	v17 =	vor.u32 v18, v17  }
0x14f: {  	v18 =	vor.u32 v12, v17;
	v16 =	vld.idx.msk [tilespmem:v16+s11+$0x0], $0xffff  }
0x150: {  	v17 =	vor.u32 v13, v17;
	v15 =	vld.idx.msk [tilespmem:v15+s11+$0x0], $0xffff;
	_ =	sdelay $0x3  }
0x151: {  	s29 =	sshll.u32 s23, $0x1;
	[tilespmem:v18+s18+$0x0] =	vst.idx.msk $0xffff, v16  }
0x152: {  	s24 =	sadd.s32 $0x2, s29;
	[tilespmem:v17+s18+$0x0] =	vst.idx.msk $0xffff, v15  }
0x153: {  	_ =	swait.ge [sflag:s24], $0x1000  }
0x154: {  	[sflag:s24] =	ssyncset.done $0x0  }
0x155: {  	[sflag:s24] =	ssyncadd.s32 $0xFFFFF000  }
0x156: {  	v14 =	vld.idx.msk [tilespmem:v14+s13+$0x0], $0xffff;
	_ =	sdelay $0x4  }
0x157: {  	v15 =	vshra.s32 v14, $0x1F  }
0x158: {  	v15 =	vshrl.u32 v15, $0x19  }
0x159: {  	v15 =	vadd.s32 v15, v14  }
0x15a: {  	v15 =	vshrl.u32 v15, $0x7  }
0x15b: {  	v15 =	vshll.u32 v15, $0x7  }
0x15c: {  	v14 =	vsub.s32 v14, v15  }
0x15d: {  	s2 =	sshll.u32 s25, $0xC;
	v15 =	vand.u32 $0xFFFFFF80, v14  }
0x15e: {  	v14 =	vand.u32 $0x7F, v14;
	v15 =	vadd.s32 s2, v15  }
0x15f: {  	v14 =	vor.u32 v14, v15  }
0x160: {  	v15 =	vadd.s32 v10, v14  }
0x161: {  	v14 =	vadd.s32 v11, v14;
	_ =	sdelay $0x3  }
0x162: {  	p1 =	por $0x0, $0x0;
	v15 =	vld.idx.msk [tilespmem:v15+s11+$0x0], $0xffff  }
0x163: {  	p0 =	por p1, p1;
	s3 =	simm.s32 @!p1 $0xB;
	v14 =	vld.idx.msk [tilespmem:v14+s11+$0x0], $0xffff  }
0x164: {  	v16 =	vmov @!p0 s3;
	_ =	sdelay $0x2  }
0x165: {  	[tilespmem:v18+s19+$0x0] =	vst.idx.msk $0xffff, v15  }
0x166: {  	s3 =	simm.s32 @!p0 $0x0;
	[tilespmem:v17+s19+$0x0] =	vst.idx.msk $0xffff, v14  }
0x167: {  	v14 =	vld.idx.msk @!p0 [tilespmem:v16+s3+$0x0], $0xffff;
	_ =	sdelay $0x4  }
0x168: {  	(v2sf) =	vpush @!p0 v14, $0x0;
	_ =	sdelay $0xe  }
0x169: {  	s3 =	spop @!p1 (v2sf)  }
0x16a: {  	s26 =	sand.u32 @!p0 $0x7F, s3  }
0x16b: {  	p2 =	slt.s32 @!p0 s3, $0x1;
	p3 =	sne.s32 @!p0 s26, $0x0  }
0x16c: {  	s26 =	sshra.s32 @!p0 s3, $0x1F;
	p2 =	por @!p0 !p2, !p3  }
0x16d: {  	s26 =	sshrl.u32 @!p0 s26, $0x19;
	p2 =	por @!p0 !p2, !p2  }
0x16e: {  	s3 =	sadd.s32 @!p0 s26, s3;
	s26 =	simm.s32 @!p0 $0x1;
	p2 =	por !p2, p0  }
0x16f: {  	s3 =	sshrl.u32 @!p0 s3, $0x7;
	s26 =	simm.s32 @p2 $0x0  }
0x170: {  	s3 =	ssub.s32 @!p0 s3, s26  }
0x171: {  	s30 =	simm.s32 @!p0 $0x7A1400;
	s3 =	sshll.u32 @!p0 s3, $0x7  }
0x172: {  	s31 =	simm.s32 @!p0 $0x400;
	s23 =	sshll.u32 @!p0 s23, $0xD;
	s3 =	sand.u32 @!p0 $0x1FFFFF80, s3  }
0x173: {  	s23 =	sor.u32 @!p0 $0x400, s23;
	s26 =	simm.s32 @!p0 $0x200;
	s3 =	sadd.s32 @!p0 s0, s3  }
0x174: {  	[tilespmem:s23], [sflag:s25] =	stream.strided.gather @!p0 [hbm4b:s3+s31], $0x1000, s30, s31, $0x38;
	[tilespmem:$0x1E400] =	vst v63  }
0x175: {  	v14 =	vld.idx.msk @!p0 [tilespmem:v16+s26+$0x0], $0xffff;
	_ =	sdelay $0x4  }
0x176: {  	(v2sf) =	vpush @!p0 v14, $0x0;
	_ =	sdelay $0xe  }
0x177: {  	s3 =	spop @!p1 (v2sf)  }
0x178: {  	s23 =	simm.s32 $0x1;
	s26 =	sand.u32 @!p0 $0x7F, s3  }
0x179: {  	s28 =	sshra.s32 @!p0 s3, $0x1F;
	p2 =	slt.s32 @!p0 s3, $0x1;
	p3 =	sne.s32 @!p0 s26, $0x0  }
0x17a: {  	s26 =	sshrl.u32 @!p0 s28, $0x19;
	s28 =	smul.u32 $0xBA2F, s23;
	p2 =	por @!p0 !p2, !p3  }
0x17b: {  	s3 =	sadd.s32 @!p0 s26, s3;
	p2 =	por @!p0 !p2, !p2  }
0x17c: {  	s26 =	simm.s32 @!p0 $0x1;
	s28 =	sshrl.u32 s28, $0x13;
	p2 =	por !p2, p0  }
0x17d: {  	v14 =	vmov s23;
	s3 =	sshrl.u32 @!p0 s3, $0x7;
	s28 =	smul.u32 $0xB, s28;
	s26 =	simm.s32 @p2 $0x0  }
0x17e: {  	s29 =	sshll.u32 @!p1 s25, $0xC;
	v15 =	vshll.u32 v14, $0x3;
	s3 =	ssub.s32 @!p0 s3, s26  }
0x17f: {  	v16 =	vand.u32 $0x7F, v14;
	v15 =	vand.u32 $0xC00, v15;
	s26 =	simm.s32 $0x2;
	s15 =	ssub.s32 $0x1, s28;
	s28 =	sshll.u32 @!p0 s3, $0x7  }
0x180: {  	v15 =	vor.u32 v16, v15;
	s25 =	sand.u32 $0xFFFF, s15;
	s3 =	sor.u32 @!p0 $0x400, s29;
	s28 =	sand.u32 @!p0 $0x1FFFFF80, s28  }
.LBB2_2:
0x181: {  	v16 =	vmov s26;
	s29 =	sshllo.u32 s25, $0x1;
	p2 =	sgt.u32 s23, $0x1F4;
	s28 =	sadd.s32 @!p0 s1, s28  }
0x182: {  	v17 =	vshll.u32 v16, $0x3;
	[tilespmem:s3], [sflag:s24] =	stream.strided.gather @!p0 [hbm4b:s28+s31], $0x1000, s30, s31, $0x38;
	[tilespmem:$0x1E400] =	vst v63  }
0x183: {  	v18 =	vand.u32 $0x7F, v16;
	s28 =	sshll.u32 @!p2 s29, $0xC;
	s30 =	sadd.s32 @!p2 $0xB, s23;
	v17 =	vand.u32 $0xC00, v17;
	_ =	swait.ge [sflag:s29], $0x1000  }
0x184: {  	s23 =	smov.u32 s26;
	s26 =	sadd.s32 $0x1, s26;
	v17 =	vor.u32 v18, v17;
	[sflag:s29] =	ssyncset.done $0x0  }
0x185: {  	p0 =	por p2, p2;
	p1 =	sne.s32 s26, $0x200;
	[sflag:s29] =	ssyncadd.s32 $0xFFFFF000  }
0x186: {  	v18 =	vld.idx.msk [tilespmem:v14+s4+$0x0], $0xffff;
	_ =	sdelay $0x5  }
0x187: {  	v19 =	vshra.s32 v18, $0x1F  }
0x188: {  	v19 =	vshrl.u32 v19, $0x19  }
0x189: {  	v19 =	vadd.s32 v19, v18  }
0x18a: {  	v19 =	vshrl.u32 v19, $0x7  }
0x18b: {  	v19 =	vshll.u32 v19, $0x7  }
0x18c: {  	v18 =	vsub.s32 v18, v19  }
0x18d: {  	s3 =	sshll.u32 s25, $0xD;
	v19 =	vand.u32 $0xFFFFFF80, v18  }
0x18e: {  	v18 =	vand.u32 $0x7F, v18;
	v19 =	vadd.s32 s3, v19  }
0x18f: {  	v18 =	vor.u32 v18, v19  }
0x190: {  	v19 =	vadd.s32 v10, v18;
	v18 =	vadd.s32 v11, v18;
	_ =	sdelay $0x4  }
0x191: {  	v19 =	vld.idx.msk [tilespmem:v19+s11+$0x0], $0xffff  }
0x192: {  	v20 =	vor.u32 v12, v15;
	v18 =	vld.idx.msk [tilespmem:v18+s11+$0x0], $0xffff  }
0x193: {  	v21 =	vor.u32 v13, v15;
	v15 =	vmov v17;
	_ =	sdelay $0x3  }
0x194: {  	s3 =	sshll.u32 s25, $0x1;
	[tilespmem:v20+s18+$0x0] =	vst.idx.msk $0xffff, v19  }
0x195: {  	s24 =	sadd.s32 $0x2, s3;
	[tilespmem:v21+s18+$0x0] =	vst.idx.msk $0xffff, v18  }
0x196: {  	_ =	swait.ge [sflag:s24], $0x1000  }
0x197: {  	[sflag:s24] =	ssyncset.done $0x0  }
0x198: {  	[sflag:s24] =	ssyncadd.s32 $0xFFFFF000  }
0x199: {  	v17 =	vld.idx.msk [tilespmem:v14+s13+$0x0], $0xffff;
	v14 =	vmov v16;
	_ =	sdelay $0x5  }
0x19a: {  	v16 =	vshra.s32 v17, $0x1F  }
0x19b: {  	v16 =	vshrl.u32 v16, $0x19  }
0x19c: {  	v16 =	vadd.s32 v16, v17  }
0x19d: {  	v16 =	vshrl.u32 v16, $0x7  }
0x19e: {  	v16 =	vshll.u32 v16, $0x7  }
0x19f: {  	v16 =	vsub.s32 v17, v16  }
0x1a0: {  	s3 =	sshll.u32 s29, $0xC;
	v17 =	vand.u32 $0xFFFFFF80, v16  }
0x1a1: {  	v16 =	vand.u32 $0x7F, v16;
	v17 =	vadd.s32 s3, v17  }
0x1a2: {  	v16 =	vor.u32 v16, v17  }
0x1a3: {  	v17 =	vadd.s32 v10, v16;
	v16 =	vadd.s32 v11, v16;
	_ =	sdelay $0x4  }
0x1a4: {  	v17 =	vld.idx.msk [tilespmem:v17+s11+$0x0], $0xffff  }
0x1a5: {  	v16 =	vld.idx.msk [tilespmem:v16+s11+$0x0], $0xffff;
	_ =	sdelay $0x1  }
0x1a6: {  	v18 =	vmov @!p0 s30;
	_ =	sdelay $0x2  }
0x1a7: {  	[tilespmem:v20+s19+$0x0] =	vst.idx.msk $0xffff, v17  }
0x1a8: {  	s3 =	simm.s32 @!p0 $0x0;
	[tilespmem:v21+s19+$0x0] =	vst.idx.msk $0xffff, v16  }
0x1a9: {  	v16 =	vld.idx.msk @!p0 [tilespmem:v18+s3+$0x0], $0xffff;
	_ =	sdelay $0x5  }
0x1aa: {  	(v2sf) =	vpush @!p0 v16, $0x0;
	_ =	sdelay $0xe  }
0x1ab: {  	s3 =	spop @!p2 (v2sf)  }
0x1ac: {  	s30 =	sshra.s32 @!p0 s3, $0x1F;
	s31 =	sand.u32 @!p0 $0x7F, s3  }
0x1ad: {  	p3 =	slt.s32 @!p0 s3, $0x1;
	s30 =	sshrl.u32 @!p0 s30, $0x19;
	p4 =	sne.s32 @!p0 s31, $0x0  }
0x1ae: {  	s30 =	sadd.s32 @!p0 s30, s3;
	p3 =	por @!p0 !p3, !p4  }
0x1af: {  	p3 =	por @!p0 !p3, !p3  }
0x1b0: {  	s31 =	simm.s32 @!p0 $0x1;
	s3 =	simm.s32 @!p0 $0x1;
	p3 =	por !p3, p0  }
0x1b1: {  	s30 =	sshrl.u32 @!p0 s30, $0x7;
	s31 =	simm.s32 @p3 $0x0  }
0x1b2: {  	s30 =	ssub.s32 @!p0 s30, s31  }
0x1b3: {  	s31 =	sshll.u32 @!p0 s30, $0x7;
	s30 =	simm.s32 @!p0 $0x7A1400  }
0x1b4: {  	s2 =	simm.s32 @!p0 $0x200;
	s25 =	sshll.u32 @!p0 s25, $0xD;
	s31 =	sand.u32 @!p0 $0x1FFFFF80, s31  }
0x1b5: {  	s25 =	sor.u32 @!p0 $0x400, s25;
	s15 =	sadd.s32 @!p0 s0, s31;
	s31 =	simm.s32 @!p0 $0x400  }
0x1b6: {  	[tilespmem:s25], [sflag:s29] =	stream.strided.gather @!p0 [hbm4b:s15+s31], $0x1000, s30, s31, $0x38;
	[tilespmem:$0x1E400] =	vst v63  }
0x1b7: {  	v16 =	vld.idx.msk @!p0 [tilespmem:v18+s2+$0x0], $0xffff;
	_ =	sdelay $0x5  }
0x1b8: {  	(v2sf) =	vpush @!p0 v16, $0x0;
	_ =	sdelay $0xe  }
0x1b9: {  	s2 =	spop @!p2 (v2sf)  }
0x1ba: {  	s15 =	sshra.s32 @!p0 s2, $0x1F;
	s25 =	sand.u32 @!p0 $0x7F, s2  }
0x1bb: {  	p2 =	slt.s32 @!p0 s2, $0x1;
	s15 =	sshrl.u32 @!p0 s15, $0x19;
	p3 =	sne.s32 @!p0 s25, $0x0  }
0x1bc: {  	s25 =	smul.u32 $0xBA2F, s23;
	s2 =	sadd.s32 @!p0 s15, s2;
	p2 =	por @!p0 !p2, !p3  }
0x1bd: {  	p2 =	por @!p0 !p2, !p2  }
.Ltmp0:
0x1be: {  	s15 =	sshrl.u32 s25, $0x13;
	p2 =	por !p2, p0;
	(pc) =	sbr.rel @p1 .LBB2_2-.Ltmp0, $4  }
0x1bf: {  	s2 =	sshrl.u32 @!p0 s2, $0x7;
	s15 =	smul.u32 $0xB, s15;
	s3 =	simm.s32 @p2 $0x0  }
0x1c0: {  	s2 =	ssub.s32 @!p0 s2, s3  }
0x1c1: {  	s3 =	ssub.s32 s23, s15;
	s2 =	sshll.u32 @!p0 s2, $0x7  }
0x1c2: {  	s25 =	sand.u32 $0xFFFF, s3;
	s3 =	sor.u32 @!p0 $0x400, s28;
	s28 =	sand.u32 @!p0 $0x1FFFFF80, s2  }
0x1c3: {  	s26 =	sshllo.u32 s25, $0x1;
	s2 =	sadd.s32 @!p0 s1, s28  }
0x1c4: {  	[tilespmem:s3], [sflag:s24] =	stream.strided.gather @!p0 [hbm4b:s2+s31], $0x1000, s30, s31, $0x38;
	[tilespmem:$0x1E400] =	vst v63  }
0x1c5: {  	_ =	swait.ge [sflag:s26], $0x1000  }
0x1c6: {  	[sflag:s26] =	ssyncset.done $0x0  }
0x1c7: {  	[sflag:s26] =	ssyncadd.s32 $0xFFFFF000  }
0x1c8: {  	v16 =	vld.idx.msk [tilespmem:v14+s4+$0x0], $0xffff;
	_ =	sdelay $0x4  }
0x1c9: {  	v17 =	vshra.s32 v16, $0x1F  }
0x1ca: {  	v17 =	vshrl.u32 v17, $0x19  }
0x1cb: {  	v17 =	vadd.s32 v17, v16  }
0x1cc: {  	v17 =	vshrl.u32 v17, $0x7  }
0x1cd: {  	v17 =	vshll.u32 v17, $0x7  }
0x1ce: {  	v16 =	vsub.s32 v16, v17  }
0x1cf: {  	s29 =	sshll.u32 s25, $0xD;
	v17 =	vand.u32 $0xFFFFFF80, v16  }
0x1d0: {  	v16 =	vand.u32 $0x7F, v16;
	v17 =	vadd.s32 s29, v17  }
0x1d1: {  	v16 =	vor.u32 v16, v17  }
0x1d2: {  	v17 =	vadd.s32 v10, v16  }
0x1d3: {  	v16 =	vadd.s32 v11, v16;
	_ =	sdelay $0x3  }
0x1d4: {  	v18 =	vor.u32 v12, v15;
	v17 =	vld.idx.msk [tilespmem:v17+s11+$0x0], $0xffff  }
0x1d5: {  	v15 =	vor.u32 v13, v15;
	v16 =	vld.idx.msk [tilespmem:v16+s11+$0x0], $0xffff;
	_ =	sdelay $0x3  }
0x1d6: {  	s30 =	sshll.u32 s25, $0x1;
	[tilespmem:v18+s18+$0x0] =	vst.idx.msk $0xffff, v17  }
0x1d7: {  	s24 =	sadd.s32 $0x2, s30;
	[tilespmem:v15+s18+$0x0] =	vst.idx.msk $0xffff, v16  }
0x1d8: {  	_ =	swait.ge [sflag:s24], $0x1000  }
0x1d9: {  	[sflag:s24] =	ssyncset.done $0x0  }
0x1da: {  	[sflag:s24] =	ssyncadd.s32 $0xFFFFF000  }
0x1db: {  	v14 =	vld.idx.msk [tilespmem:v14+s13+$0x0], $0xffff;
	_ =	sdelay $0x4  }
0x1dc: {  	v63 =	vshra.s32 v14, $0x1F  }
0x1dd: {  	v16 =	vshrl.u32 v63, $0x19  }
0x1de: {  	v16 =	vadd.s32 v16, v14  }
0x1df: {  	v16 =	vshrl.u32 v16, $0x7  }
0x1e0: {  	v16 =	vshll.u32 v16, $0x7  }
0x1e1: {  	v14 =	vsub.s32 v14, v16  }
0x1e2: {  	s31 =	sshll.u32 s26, $0xC;
	v16 =	vand.u32 $0xFFFFFF80, v14  }
0x1e3: {  	v14 =	vand.u32 $0x7F, v14;
	v16 =	vadd.s32 s31, v16  }
0x1e4: {  	v14 =	vor.u32 v14, v16  }
0x1e5: {  	v16 =	vadd.s32 v10, v14  }
0x1e6: {  	v14 =	vadd.s32 v11, v14;
	_ =	sdelay $0x3  }
0x1e7: {  	p1 =	sgt.u32 s23, $0x1F4;
	v16 =	vld.idx.msk [tilespmem:v16+s11+$0x0], $0xffff  }
0x1e8: {  	s2 =	sadd.s32 @!p1 $0xB, s23;
	p0 =	por p1, p1;
	v14 =	vld.idx.msk [tilespmem:v14+s11+$0x0], $0xffff  }
0x1e9: {  	v17 =	vmov @!p0 s2;
	_ =	sdelay $0x2  }
0x1ea: {  	[tilespmem:v18+s19+$0x0] =	vst.idx.msk $0xffff, v16  }
0x1eb: {  	s2 =	simm.s32 @!p0 $0x0;
	[tilespmem:v15+s19+$0x0] =	vst.idx.msk $0xffff, v14  }
0x1ec: {  	v14 =	vld.idx.msk @!p0 [tilespmem:v17+s2+$0x0], $0xffff;
	_ =	sdelay $0x4  }
0x1ed: {  	(v2sf) =	vpush @!p0 v14, $0x0;
	_ =	sdelay $0xe  }
0x1ee: {  	s2 =	spop @!p1 (v2sf)  }
0x1ef: {  	s3 =	sand.u32 @!p0 $0x7F, s2  }
0x1f0: {  	p2 =	slt.s32 @!p0 s2, $0x1;
	p3 =	sne.s32 @!p0 s3, $0x0  }
0x1f1: {  	s3 =	sshra.s32 @!p0 s2, $0x1F;
	p2 =	por @!p0 !p2, !p3  }
0x1f2: {  	s3 =	sshrl.u32 @!p0 s3, $0x19;
	p2 =	por @!p0 !p2, !p2  }
0x1f3: {  	s2 =	sadd.s32 @!p0 s3, s2;
	s3 =	simm.s32 @!p0 $0x1;
	p2 =	por !p2, p0  }
0x1f4: {  	s2 =	sshrl.u32 @!p0 s2, $0x7;
	s3 =	simm.s32 @p2 $0x0  }
0x1f5: {  	s2 =	ssub.s32 @!p0 s2, s3  }
0x1f6: {  	s15 =	sshll.u32 @!p0 s25, $0xD;
	s2 =	sshll.u32 @!p0 s2, $0x7  }
0x1f7: {  	s23 =	simm.s32 @!p0 $0x200;
	s25 =	simm.s32 @!p0 $0x400;
	s2 =	sand.u32 @!p0 $0x1FFFFF80, s2  }
0x1f8: {  	s15 =	sor.u32 @!p0 $0x400, s15;
	s3 =	simm.s32 @!p0 $0x7A1400;
	s2 =	sadd.s32 @!p0 s0, s2  }
0x1f9: {  	[tilespmem:s15], [sflag:s26] =	stream.strided.gather @!p0 [hbm4b:s2+s25], $0x1000, s3, s25, $0x38;
	[tilespmem:$0x1E400] =	vst v63  }
0x1fa: {  	v14 =	vld.idx.msk @!p0 [tilespmem:v17+s23+$0x0], $0xffff;
	_ =	sdelay $0x4  }
0x1fb: {  	(v2sf) =	vpush @!p0 v14, $0x0;
	_ =	sdelay $0xe  }
0x1fc: {  	s2 =	spop @!p1 (v2sf)  }
0x1fd: {  	s15 =	sand.u32 @!p0 $0x7F, s2  }
0x1fe: {  	p2 =	slt.s32 @!p0 s2, $0x1;
	p3 =	sne.s32 @!p0 s15, $0x0  }
0x1ff: {  	s15 =	sshra.s32 @!p0 s2, $0x1F;
	p2 =	por @!p0 !p2, !p3  }
0x200: {  	s15 =	sshrl.u32 @!p0 s15, $0x19;
	p2 =	por @!p0 !p2, !p2  }
0x201: {  	s23 =	simm.s32 @!p0 $0x1;
	s2 =	sadd.s32 @!p0 s15, s2;
	p2 =	por !p2, p0  }
0x202: {  	s2 =	sshrl.u32 @!p0 s2, $0x7;
	s23 =	simm.s32 @p2 $0x0  }
0x203: {  	s2 =	ssub.s32 @!p0 s2, s23  }
0x204: {  	s2 =	sshll.u32 @!p0 s2, $0x7  }
0x205: {  	s15 =	sshll.u32 @!p1 s26, $0xC;
	s2 =	sand.u32 @!p0 $0x1FFFFF80, s2  }
0x206: {  	s15 =	sor.u32 @!p0 $0x400, s15;
	s2 =	sadd.s32 @!p0 s1, s2  }
0x207: {  	[tilespmem:s15], [sflag:s24] =	stream.strided.gather @!p0 [hbm4b:s2+s25], $0x1000, s3, s25, $0x38;
	[tilespmem:$0x1E400] =	vst v63  }
0x208: {  	_ = 	snop  }
0x209: {  	[hbm4b:s7+s20] =	stream.strided.scatter [tilespmem:s18], [sflag:$0x17], $0x4000, s21, s20, $0x38;
	[tilespmem:$0x1E400] =	vst v63  }
0x20a: {  	s22 =	sadd.s32 $0x1, s22;
	_ =	swait.ge [sflag:s12], $0x4000  }
0x20b: {  	p0 =	sne.s32 s22, s9;
	[sflag:s12] =	ssyncset.done $0x0  }
.Ltmp1:
0x20c: {  	[sflag:s12] =	ssyncadd.s32 $0xFFFFC000;
	(pc) =	sbr.rel @p0 .LBB2_1-.Ltmp1, $4  }
0x20d: {  	[hbm4b:s8+s20] =	stream.strided.scatter [tilespmem:s19], [sflag:$0x17], $0x4000, s21, s20, $0x38;
	[tilespmem:$0x1E400] =	vst v63  }
0x20e: {  	_ =	swait.ge [sflag:s12], $0x4000  }
0x20f: {  	[sflag:s12] =	ssyncset.done $0x0  }
0x210: {  	[sflag:s12] =	ssyncadd.s32 $0xFFFFC000  }
0x211: {  	_ =	sfence.sel $0x180000  }
0x212: {  	[bflag:$0x0] =	sbarrier.arrive $0xFFFF  }
0x213: {  	_ =	strace $0x90000047  }
0x214: {  	s0 =	stileid.u32;
	[bflag:$0x2] =	sbarrier.arrive $0xFFFF  }
0x215: {  	p0 =	sne.s32 s0, $0x0;
	s0 =	rddreg [dreg:$0x6]  }
0x216: {  	s0 =	sadd.s32 @!p0 $0x100000, s0  }
0x217: {  	[sflag:s0] =	ssyncadd.tile.s32 @!p0 $0x1;
	_ =	shalt  }
.Lfunc_end2:
_tile_overlayer_lowered:
.L_overlay_start_2:
0x218: {  	(tag) =	ssettag $0x2  }
0x219: {  	s0 =	rddreg [dreg:$0x0];
	s2 =	stileid.u32  }
0x21a: {  	s1 =	rddreg [dreg:$0x1];
	p0 =	sne.s32 s2, $0x0  }
0x21b: {  	s3 =	rddreg [dreg:$0x2];
	[bflag:$0x3] =	sbarrier.arrive $0xFFFF;
	s2 =	simm.s32 @!p0 $0x1C17  }
0x21c: {  	[timem:s3], [sflag:s2] =	dma.local @!p0 [hbm:s0], s1  }
0x21d: {  	s0 =	simm.s32 @!p0 $0x17  }
0x21e: {  	_ =	swait.ge @!p0 [sflag:s0], s1  }
0x21f: {  	s1 =	ssub.s32 @!p0 $0x0, s1;
	[sflag:s0] =	ssyncset.done @!p0 $0x0  }
0x220: {  	[sflag:s0] =	ssyncadd.s32 @!p0 s1  }
0x221: {  	[bflag:$0x3] =	sbarrier.arrive $0xFFFF  }
0x222: {  	_ =	shalt  }

</sc_bundles>
